<compile_context>
chip_gen: v7x
topology: tpu7x:2x2x1
jax: 0.10.2.dev20260603
libtpu: 0.0.44.dev20260713+nightly
codegen_flags: <defaults>
</compile_context>

<pallas_src>
import functools

import jax
import jax.numpy as jnp
from jax import lax
from jax.experimental import pallas as pl
from jax.experimental.pallas import tpu as pltpu
from jax.experimental.pallas import tpu_sc as plsc

_LANES = 128



def _fmt_body(D, yt_ref, xt_ref, o_ref):
    o_ref[:, :D] = jnp.swapaxes(yt_ref[...], 0, 1)
    o_ref[:, D:] = jnp.swapaxes(xt_ref[...], 0, 1)


@functools.lru_cache(maxsize=None)
def _make_fmt(V, D):
    R = 12800
    return pl.pallas_call(
        functools.partial(_fmt_body, D),
        grid=(pl.cdiv(V, R),),
        in_specs=[
            pl.BlockSpec((D, R), lambda s: (0, s)),
            pl.BlockSpec((D, R), lambda s: (0, s)),
        ],
        out_specs=pl.BlockSpec((R, _LANES), lambda s: (s, 0)),
        out_shape=jax.ShapeDtypeStruct((V, _LANES), jnp.float32),
    )



@functools.lru_cache(maxsize=None)
def _make_sc_gather(B, D):
    info = plsc.get_sparse_core_info()
    NC, NS = info.num_cores, info.num_subcores
    NW = NC * NS
    assert B % (8 * NW) == 0
    b_per_w = B // NW
    mesh = plsc.VectorSubcoreMesh(core_axis_name="c", subcore_axis_name="s")

    @functools.partial(
        pl.kernel,
        mesh=mesh,
        compiler_params=pltpu.CompilerParams(use_tc_tiling_on_sc=False),
        out_type=jax.ShapeDtypeStruct((B, _LANES), jnp.float32),
        scratch_types=[
            pltpu.VMEM((b_per_w,), jnp.int32),
            pltpu.VMEM((b_per_w,), jnp.int32),
            pltpu.VMEM((b_per_w, D), jnp.float32),
            pltpu.VMEM((b_per_w, D), jnp.float32),
            pltpu.SemaphoreType.DMA,
            pltpu.SemaphoreType.DMA,
        ],
    )
    def sc_gather(yi_hbm, xi_hbm, tab_hbm, z_hbm,
                  yi_v, xi_v, yrows_v, xrows_v, semy, semx):
        wid = lax.axis_index("s") * NC + lax.axis_index("c")
        base = wid * b_per_w
        pltpu.sync_copy(yi_hbm.at[pl.ds(base, b_per_w)], yi_v)
        pltpu.sync_copy(xi_hbm.at[pl.ds(base, b_per_w)], xi_v)
        for c in range(b_per_w // 16):
            sl = pl.ds(c * 16, 16)
            yi_v[sl] = yi_v[sl] * 2
            xi_v[sl] = xi_v[sl] * 2 + 1
        cy = pltpu.async_copy(tab_hbm.at[yi_v], yrows_v, semy)
        cx = pltpu.async_copy(tab_hbm.at[xi_v], xrows_v, semx)
        cy.wait()
        cx.wait()
        pltpu.sync_copy(yrows_v,
                        z_hbm.at[pl.ds(base, b_per_w), pl.ds(0, D)])
        pltpu.sync_copy(xrows_v,
                        z_hbm.at[pl.ds(base, b_per_w), pl.ds(D, D)])

    return sc_gather



def _outer_sum_body(S, D, z_ref, o_ref, xt_scr):
    i = pl.program_id(0)

    @pl.when(i == 0)
    def _prologue():
        for j in range(S):
            xt_scr[j] = jnp.swapaxes(z_ref[j][:, D:], 0, 1)

    yt = jnp.swapaxes(z_ref[i][:, :D], 0, 1)
    for j in range(S):
        o_ref[0, j] = yt + xt_scr[j]


@functools.lru_cache(maxsize=None)
def _make_outer_sum(N, S, D):
    return pl.pallas_call(
        functools.partial(_outer_sum_body, S, D),
        grid=(S,),
        in_specs=[
            pl.BlockSpec((S, N, _LANES), lambda i: (0, 0, 0)),
        ],
        out_specs=pl.BlockSpec((1, S, D, N), lambda i: (i, 0, 0, 0)),
        out_shape=jax.ShapeDtypeStruct((S, S, D, N), jnp.float32),
        scratch_shapes=[pltpu.VMEM((S, D, N), jnp.float32)],
    )


def kernel(y_indexes, x_indexes, x_table, y_table):
    N, S = x_indexes.shape
    V, D = x_table.shape
    B = N * S

    yi = y_indexes.T.reshape(B).astype(jnp.int32)
    xi = x_indexes.T.reshape(B).astype(jnp.int32)

    tab_w = _make_fmt(V, D)(
        jnp.swapaxes(y_table, 0, 1), jnp.swapaxes(x_table, 0, 1))

    z = _make_sc_gather(B, D)(yi, xi, tab_w.reshape(2 * V, D))

    out_phys = _make_outer_sum(N, S, D)(z.reshape(S, N, _LANES))
    return jnp.transpose(out_phys, (3, 2, 0, 1))

# --- scband reference (transcript-rebuilt; emitter-appended) ---
"""Pipeline reference for scband-pos-embedding2-d-50835232916086 (READ-ONLY COPY).

The authoritative reference and input builder live on the scoring server;
editing this copy changes nothing except your own understanding.
"""

import jax, jax.numpy as jnp
import numpy as np

Y_DIM = 100000
X_DIM = 100000
EMBED_DIM = 64
N = 1024
SEQ = 20


def setup_inputs(seed: int = 0) -> dict:
    key = jax.random.key(seed)
    k1, k2, k3, k4 = jax.random.split(key, 4)
    y_indexes = jax.random.randint(k1, (N, SEQ), 0, Y_DIM)
    x_indexes = jax.random.randint(k2, (N, SEQ), 0, X_DIM)
    # learned embedding tables (nn.Embedding weights)
    x_table = jax.random.normal(k3, (X_DIM, EMBED_DIM), dtype=jnp.float32)
    y_table = jax.random.normal(k4, (Y_DIM, EMBED_DIM), dtype=jnp.float32)
    return {"y_indexes": y_indexes, "x_indexes": x_indexes, "x_table": x_table, "y_table": y_table}


def reference(y_indexes, x_indexes, x_table, y_table):
    # learnable=True path of PosEmbedding2D.forward with flatten=False
    x_pos_embs = jnp.take(x_table, x_indexes, axis=0)  # (N, Sx, D)
    y_pos_embs = jnp.take(y_table, y_indexes, axis=0)  # (N, Sy, D)
    # permute(..., -1, -2) then broadcast-add: (N, D, 1, Sx) + (N, D, Sy, 1)
    x_pos_embs = jnp.swapaxes(x_pos_embs, -1, -2)[..., None, :]
    y_pos_embs = jnp.swapaxes(y_pos_embs, -1, -2)[..., None]
    embs = x_pos_embs + y_pos_embs  # (N, D, Sy, Sx)
    return embs

if __name__ == "__main__":
    import jax
    _d = setup_inputs()
    print(jax.jit(kernel)(*tuple(_d.values())))

</pallas_src>

<mosaic_0001>
#map = affine_map<(d0, d1) -> (0)>
#map1 = affine_map<(d0, d1) -> (0, 0)>
module attributes {stable_mosaic.version = 14 : i64} {
  func.func @sc_gather(%arg0: i32, %arg1: i32, %arg2: memref<20480xi32, #tpu.memory_space<hbm>>, %arg3: memref<20480xi32, #tpu.memory_space<hbm>>, %arg4: memref<200000x64xf32, #tpu.memory_space<hbm>>, %arg5: memref<20480x128xf32, #tpu.memory_space<hbm>>, %arg6: memref<640xi32, #tpu.memory_space<vmem>>, %arg7: memref<640xi32, #tpu.memory_space<vmem>>, %arg8: memref<640x64xf32, #tpu.memory_space<vmem>>, %arg9: memref<640x64xf32, #tpu.memory_space<vmem>>, %arg10: memref<!tpu.dma_semaphore, #tpu.memory_space<semaphore_mem>>, %arg11: memref<!tpu.dma_semaphore, #tpu.memory_space<semaphore_mem>>) attributes {dimension_semantics = [#tpu.dimension_semantics<core_parallel>, #tpu.dimension_semantics<subcore_parallel>], iteration_bounds = array<i64: 2, 16>, scalar_prefetch = 0 : i64, scratch_operands = 6 : i64, tpu.core_type = #tpu.core_type<sc_vector_subcore>, window_params = [{transform_indices = #map}, {transform_indices = #map}, {transform_indices = #map1}, {transform_indices = #map1}]} {
    %mul3A = arith.constant 2 : i32
    %mul3A_0 = arith.muli %arg1, %mul3A : i32
    %add3A = arith.addi %mul3A_0, %arg0 : i32
    %mul3A_1 = arith.constant 640 : i32
    %mul3A_2 = arith.muli %add3A, %mul3A_1 : i32
    "tpu.region"() ({
      %run_scoped3A = tpu.sem_alloc : memref<!tpu.dma_semaphore, #tpu.memory_space<semaphore_mem>>
      %dma_start3A_931 = tpu.memref_slice %arg2[%mul3A_2] : memref<20480xi32, #tpu.memory_space<hbm>> -> memref<640xi32, #tpu.memory_space<hbm>>
      %dma_start3A_932 = tpu.memref_slice %arg2[%mul3A_2] : memref<20480xi32, #tpu.memory_space<hbm>> -> memref<640xi32, #tpu.memory_space<hbm>>
      tpu.enqueue_dma source(%dma_start3A_932 : memref<640xi32, #tpu.memory_space<hbm>>) target(%arg6 : memref<640xi32, #tpu.memory_space<vmem>>) target_semaphore(%run_scoped3A : memref<!tpu.dma_semaphore, #tpu.memory_space<semaphore_mem>>)
      %dma_wait3A_933 = tpu.memref_slice %arg2[%mul3A_2] : memref<20480xi32, #tpu.memory_space<hbm>> -> memref<640xi32, #tpu.memory_space<hbm>>
      %dma_wait3A_934 = tpu.memref_slice %arg2[%mul3A_2] : memref<20480xi32, #tpu.memory_space<hbm>> -> memref<640xi32, #tpu.memory_space<hbm>>
      tpu.wait_dma2 semaphore(%run_scoped3A : memref<!tpu.dma_semaphore, #tpu.memory_space<semaphore_mem>>) src(%dma_wait3A_934 : memref<640xi32, #tpu.memory_space<hbm>>) dst(%arg6 : memref<640xi32, #tpu.memory_space<vmem>>)
      tpu.yield
    }) : () -> ()
    "tpu.region"() ({
      %run_scoped3A = tpu.sem_alloc : memref<!tpu.dma_semaphore, #tpu.memory_space<semaphore_mem>>
      %dma_start3A_931 = tpu.memref_slice %arg3[%mul3A_2] : memref<20480xi32, #tpu.memory_space<hbm>> -> memref<640xi32, #tpu.memory_space<hbm>>
      %dma_start3A_932 = tpu.memref_slice %arg3[%mul3A_2] : memref<20480xi32, #tpu.memory_space<hbm>> -> memref<640xi32, #tpu.memory_space<hbm>>
      tpu.enqueue_dma source(%dma_start3A_932 : memref<640xi32, #tpu.memory_space<hbm>>) target(%arg7 : memref<640xi32, #tpu.memory_space<vmem>>) target_semaphore(%run_scoped3A : memref<!tpu.dma_semaphore, #tpu.memory_space<semaphore_mem>>)
      %dma_wait3A_933 = tpu.memref_slice %arg3[%mul3A_2] : memref<20480xi32, #tpu.memory_space<hbm>> -> memref<640xi32, #tpu.memory_space<hbm>>
      %dma_wait3A_934 = tpu.memref_slice %arg3[%mul3A_2] : memref<20480xi32, #tpu.memory_space<hbm>> -> memref<640xi32, #tpu.memory_space<hbm>>
      tpu.wait_dma2 semaphore(%run_scoped3A : memref<!tpu.dma_semaphore, #tpu.memory_space<semaphore_mem>>) src(%dma_wait3A_934 : memref<640xi32, #tpu.memory_space<hbm>>) dst(%arg7 : memref<640xi32, #tpu.memory_space<vmem>>)
      tpu.yield
    }) : () -> ()
    %get3A = arith.constant 0 : index
    %get3A_3 = tpu.vector_load %arg6[%get3A] {strides = array<i32>} : memref<640xi32, #tpu.memory_space<vmem>>, vector<16xi32>,
    %get3A_4 = vector.shape_cast %get3A_3 : vector<16xi32> to vector<16xi32>
    %mul3A_5 = arith.constant 2 : i32
    %mul3A_6 = vector.broadcast %mul3A_5 : i32 to vector<16xi32>
    %mul3A_7 = arith.muli %get3A_4, %mul3A_6 : vector<16xi32>
    %swap3A = arith.constant 0 : index
    %swap3A_8 = tpu.vector_load %arg6[%swap3A] {strides = array<i32>} : memref<640xi32, #tpu.memory_space<vmem>>, vector<16xi32>,
    %swap3A_9 = vector.shape_cast %swap3A_8 : vector<16xi32> to vector<16xi32>
    %swap3A_10 = vector.shape_cast %mul3A_7 : vector<16xi32> to vector<16xi32>
    tpu.vector_store %arg6[%swap3A], %swap3A_10 {strides = array<i32>} : memref<640xi32, #tpu.memory_space<vmem>>, vector<16xi32>,
    %get3A_11 = arith.constant 0 : index
    %get3A_12 = tpu.vector_load %arg7[%get3A_11] {strides = array<i32>} : memref<640xi32, #tpu.memory_space<vmem>>, vector<16xi32>,
    %get3A_13 = vector.shape_cast %get3A_12 : vector<16xi32> to vector<16xi32>
    %mul3A_14 = arith.constant 2 : i32
    %mul3A_15 = vector.broadcast %mul3A_14 : i32 to vector<16xi32>
    %mul3A_16 = arith.muli %get3A_13, %mul3A_15 : vector<16xi32>
    %add3A_17 = arith.constant 1 : i32
    %add3A_18 = vector.broadcast %add3A_17 : i32 to vector<16xi32>
    %add3A_19 = arith.addi %mul3A_16, %add3A_18 : vector<16xi32>
    %swap3A_20 = arith.constant 0 : index
    %swap3A_21 = tpu.vector_load %arg7[%swap3A_20] {strides = array<i32>} : memref<640xi32, #tpu.memory_space<vmem>>, vector<16xi32>,
    %swap3A_22 = vector.shape_cast %swap3A_21 : vector<16xi32> to vector<16xi32>
    %swap3A_23 = vector.shape_cast %add3A_19 : vector<16xi32> to vector<16xi32>
    tpu.vector_store %arg7[%swap3A_20], %swap3A_23 {strides = array<i32>} : memref<640xi32, #tpu.memory_space<vmem>>, vector<16xi32>,
    %get3A_24 = arith.constant 16 : index
    %get3A_25 = tpu.vector_load %arg6[%get3A_24] {strides = array<i32>} : memref<640xi32, #tpu.memory_space<vmem>>, vector<16xi32>,
    %get3A_26 = vector.shape_cast %get3A_25 : vector<16xi32> to vector<16xi32>
    %mul3A_27 = arith.constant 2 : i32
    %mul3A_28 = vector.broadcast %mul3A_27 : i32 to vector<16xi32>
    %mul3A_29 = arith.muli %get3A_26, %mul3A_28 : vector<16xi32>
    %swap3A_30 = arith.constant 16 : index
    %swap3A_31 = tpu.vector_load %arg6[%swap3A_30] {strides = array<i32>} : memref<640xi32, #tpu.memory_space<vmem>>, vector<16xi32>,
    %swap3A_32 = vector.shape_cast %swap3A_31 : vector<16xi32> to vector<16xi32>
    %swap3A_33 = vector.shape_cast %mul3A_29 : vector<16xi32> to vector<16xi32>
    tpu.vector_store %arg6[%swap3A_30], %swap3A_33 {strides = array<i32>} : memref<640xi32, #tpu.memory_space<vmem>>, vector<16xi32>,
    %get3A_34 = arith.constant 16 : index
    %get3A_35 = tpu.vector_load %arg7[%get3A_34] {strides = array<i32>} : memref<640xi32, #tpu.memory_space<vmem>>, vector<16xi32>,
    %get3A_36 = vector.shape_cast %get3A_35 : vector<16xi32> to vector<16xi32>
    %mul3A_37 = arith.constant 2 : i32
    %mul3A_38 = vector.broadcast %mul3A_37 : i32 to vector<16xi32>
    %mul3A_39 = arith.muli %get3A_36, %mul3A_38 : vector<16xi32>
    %add3A_40 = arith.constant 1 : i32
    %add3A_41 = vector.broadcast %add3A_40 : i32 to vector<16xi32>
    %add3A_42 = arith.addi %mul3A_39, %add3A_41 : vector<16xi32>
    %swap3A_43 = arith.constant 16 : index
    %swap3A_44 = tpu.vector_load %arg7[%swap3A_43] {strides = array<i32>} : memref<640xi32, #tpu.memory_space<vmem>>, vector<16xi32>,
    %swap3A_45 = vector.shape_cast %swap3A_44 : vector<16xi32> to vector<16xi32>
    %swap3A_46 = vector.shape_cast %add3A_42 : vector<16xi32> to vector<16xi32>
    tpu.vector_store %arg7[%swap3A_43], %swap3A_46 {strides = array<i32>} : memref<640xi32, #tpu.memory_space<vmem>>, vector<16xi32>,
    %get3A_47 = arith.constant 32 : index
    %get3A_48 = tpu.vector_load %arg6[%get3A_47] {strides = array<i32>} : memref<640xi32, #tpu.memory_space<vmem>>, vector<16xi32>,
    %get3A_49 = vector.shape_cast %get3A_48 : vector<16xi32> to vector<16xi32>
    %mul3A_50 = arith.constant 2 : i32
    %mul3A_51 = vector.broadcast %mul3A_50 : i32 to vector<16xi32>
    %mul3A_52 = arith.muli %get3A_49, %mul3A_51 : vector<16xi32>
    %swap3A_53 = arith.constant 32 : index
    %swap3A_54 = tpu.vector_load %arg6[%swap3A_53] {strides = array<i32>} : memref<640xi32, #tpu.memory_space<vmem>>, vector<16xi32>,
    %swap3A_55 = vector.shape_cast %swap3A_54 : vector<16xi32> to vector<16xi32>
    %swap3A_56 = vector.shape_cast %mul3A_52 : vector<16xi32> to vector<16xi32>
    tpu.vector_store %arg6[%swap3A_53], %swap3A_56 {strides = array<i32>} : memref<640xi32, #tpu.memory_space<vmem>>, vector<16xi32>,
    %get3A_57 = arith.constant 32 : index
    %get3A_58 = tpu.vector_load %arg7[%get3A_57] {strides = array<i32>} : memref<640xi32, #tpu.memory_space<vmem>>, vector<16xi32>,
    %get3A_59 = vector.shape_cast %get3A_58 : vector<16xi32> to vector<16xi32>
    %mul3A_60 = arith.constant 2 : i32
    %mul3A_61 = vector.broadcast %mul3A_60 : i32 to vector<16xi32>
    %mul3A_62 = arith.muli %get3A_59, %mul3A_61 : vector<16xi32>
    %add3A_63 = arith.constant 1 : i32
    %add3A_64 = vector.broadcast %add3A_63 : i32 to vector<16xi32>
    %add3A_65 = arith.addi %mul3A_62, %add3A_64 : vector<16xi32>
    %swap3A_66 = arith.constant 32 : index
    %swap3A_67 = tpu.vector_load %arg7[%swap3A_66] {strides = array<i32>} : memref<640xi32, #tpu.memory_space<vmem>>, vector<16xi32>,
    %swap3A_68 = vector.shape_cast %swap3A_67 : vector<16xi32> to vector<16xi32>
    %swap3A_69 = vector.shape_cast %add3A_65 : vector<16xi32> to vector<16xi32>
    tpu.vector_store %arg7[%swap3A_66], %swap3A_69 {strides = array<i32>} : memref<640xi32, #tpu.memory_space<vmem>>, vector<16xi32>,
    %get3A_70 = arith.constant 48 : index
    %get3A_71 = tpu.vector_load %arg6[%get3A_70] {strides = array<i32>} : memref<640xi32, #tpu.memory_space<vmem>>, vector<16xi32>,
    %get3A_72 = vector.shape_cast %get3A_71 : vector<16xi32> to vector<16xi32>
    %mul3A_73 = arith.constant 2 : i32
    %mul3A_74 = vector.broadcast %mul3A_73 : i32 to vector<16xi32>
    %mul3A_75 = arith.muli %get3A_72, %mul3A_74 : vector<16xi32>
    %swap3A_76 = arith.constant 48 : index
    %swap3A_77 = tpu.vector_load %arg6[%swap3A_76] {strides = array<i32>} : memref<640xi32, #tpu.memory_space<vmem>>, vector<16xi32>,
    %swap3A_78 = vector.shape_cast %swap3A_77 : vector<16xi32> to vector<16xi32>
    %swap3A_79 = vector.shape_cast %mul3A_75 : vector<16xi32> to vector<16xi32>
    tpu.vector_store %arg6[%swap3A_76], %swap3A_79 {strides = array<i32>} : memref<640xi32, #tpu.memory_space<vmem>>, vector<16xi32>,
    %get3A_80 = arith.constant 48 : index
    %get3A_81 = tpu.vector_load %arg7[%get3A_80] {strides = array<i32>} : memref<640xi32, #tpu.memory_space<vmem>>, vector<16xi32>,
    %get3A_82 = vector.shape_cast %get3A_81 : vector<16xi32> to vector<16xi32>
    %mul3A_83 = arith.constant 2 : i32
    %mul3A_84 = vector.broadcast %mul3A_83 : i32 to vector<16xi32>
    %mul3A_85 = arith.muli %get3A_82, %mul3A_84 : vector<16xi32>
    %add3A_86 = arith.constant 1 : i32
    %add3A_87 = vector.broadcast %add3A_86 : i32 to vector<16xi32>
    %add3A_88 = arith.addi %mul3A_85, %add3A_87 : vector<16xi32>
    %swap3A_89 = arith.constant 48 : index
    %swap3A_90 = tpu.vector_load %arg7[%swap3A_89] {strides = array<i32>} : memref<640xi32, #tpu.memory_space<vmem>>, vector<16xi32>,
    %swap3A_91 = vector.shape_cast %swap3A_90 : vector<16xi32> to vector<16xi32>
    %swap3A_92 = vector.shape_cast %add3A_88 : vector<16xi32> to vector<16xi32>
    tpu.vector_store %arg7[%swap3A_89], %swap3A_92 {strides = array<i32>} : memref<640xi32, #tpu.memory_space<vmem>>, vector<16xi32>,
    %get3A_93 = arith.constant 64 : index
    %get3A_94 = tpu.vector_load %arg6[%get3A_93] {strides = array<i32>} : memref<640xi32, #tpu.memory_space<vmem>>, vector<16xi32>,
    %get3A_95 = vector.shape_cast %get3A_94 : vector<16xi32> to vector<16xi32>
    %mul3A_96 = arith.constant 2 : i32
    %mul3A_97 = vector.broadcast %mul3A_96 : i32 to vector<16xi32>
    %mul3A_98 = arith.muli %get3A_95, %mul3A_97 : vector<16xi32>
    %swap3A_99 = arith.constant 64 : index
    %swap3A_100 = tpu.vector_load %arg6[%swap3A_99] {strides = array<i32>} : memref<640xi32, #tpu.memory_space<vmem>>, vector<16xi32>,
    %swap3A_101 = vector.shape_cast %swap3A_100 : vector<16xi32> to vector<16xi32>
    %swap3A_102 = vector.shape_cast %mul3A_98 : vector<16xi32> to vector<16xi32>
    tpu.vector_store %arg6[%swap3A_99], %swap3A_102 {strides = array<i32>} : memref<640xi32, #tpu.memory_space<vmem>>, vector<16xi32>,
    %get3A_103 = arith.constant 64 : index
    %get3A_104 = tpu.vector_load %arg7[%get3A_103] {strides = array<i32>} : memref<640xi32, #tpu.memory_space<vmem>>, vector<16xi32>,
    %get3A_105 = vector.shape_cast %get3A_104 : vector<16xi32> to vector<16xi32>
    %mul3A_106 = arith.constant 2 : i32
    %mul3A_107 = vector.broadcast %mul3A_106 : i32 to vector<16xi32>
    %mul3A_108 = arith.muli %get3A_105, %mul3A_107 : vector<16xi32>
    %add3A_109 = arith.constant 1 : i32
    %add3A_110 = vector.broadcast %add3A_109 : i32 to vector<16xi32>
    %add3A_111 = arith.addi %mul3A_108, %add3A_110 : vector<16xi32>
    %swap3A_112 = arith.constant 64 : index
    %swap3A_113 = tpu.vector_load %arg7[%swap3A_112] {strides = array<i32>} : memref<640xi32, #tpu.memory_space<vmem>>, vector<16xi32>,
    %swap3A_114 = vector.shape_cast %swap3A_113 : vector<16xi32> to vector<16xi32>
    %swap3A_115 = vector.shape_cast %add3A_111 : vector<16xi32> to vector<16xi32>
    tpu.vector_store %arg7[%swap3A_112], %swap3A_115 {strides = array<i32>} : memref<640xi32, #tpu.memory_space<vmem>>, vector<16xi32>,
    %get3A_116 = arith.constant 80 : index
    %get3A_117 = tpu.vector_load %arg6[%get3A_116] {strides = array<i32>} : memref<640xi32, #tpu.memory_space<vmem>>, vector<16xi32>,
    %get3A_118 = vector.shape_cast %get3A_117 : vector<16xi32> to vector<16xi32>
    %mul3A_119 = arith.constant 2 : i32
    %mul3A_120 = vector.broadcast %mul3A_119 : i32 to vector<16xi32>
    %mul3A_121 = arith.muli %get3A_118, %mul3A_120 : vector<16xi32>
    %swap3A_122 = arith.constant 80 : index
    %swap3A_123 = tpu.vector_load %arg6[%swap3A_122] {strides = array<i32>} : memref<640xi32, #tpu.memory_space<vmem>>, vector<16xi32>,
    %swap3A_124 = vector.shape_cast %swap3A_123 : vector<16xi32> to vector<16xi32>
    %swap3A_125 = vector.shape_cast %mul3A_121 : vector<16xi32> to vector<16xi32>
    tpu.vector_store %arg6[%swap3A_122], %swap3A_125 {strides = array<i32>} : memref<640xi32, #tpu.memory_space<vmem>>, vector<16xi32>,
    %get3A_126 = arith.constant 80 : index
    %get3A_127 = tpu.vector_load %arg7[%get3A_126] {strides = array<i32>} : memref<640xi32, #tpu.memory_space<vmem>>, vector<16xi32>,
    %get3A_128 = vector.shape_cast %get3A_127 : vector<16xi32> to vector<16xi32>
    %mul3A_129 = arith.constant 2 : i32
    %mul3A_130 = vector.broadcast %mul3A_129 : i32 to vector<16xi32>
    %mul3A_131 = arith.muli %get3A_128, %mul3A_130 : vector<16xi32>
    %add3A_132 = arith.constant 1 : i32
    %add3A_133 = vector.broadcast %add3A_132 : i32 to vector<16xi32>
    %add3A_134 = arith.addi %mul3A_131, %add3A_133 : vector<16xi32>
    %swap3A_135 = arith.constant 80 : index
    %swap3A_136 = tpu.vector_load %arg7[%swap3A_135] {strides = array<i32>} : memref<640xi32, #tpu.memory_space<vmem>>, vector<16xi32>,
    %swap3A_137 = vector.shape_cast %swap3A_136 : vector<16xi32> to vector<16xi32>
    %swap3A_138 = vector.shape_cast %add3A_134 : vector<16xi32> to vector<16xi32>
    tpu.vector_store %arg7[%swap3A_135], %swap3A_138 {strides = array<i32>} : memref<640xi32, #tpu.memory_space<vmem>>, vector<16xi32>,
    %get3A_139 = arith.constant 96 : index
    %get3A_140 = tpu.vector_load %arg6[%get3A_139] {strides = array<i32>} : memref<640xi32, #tpu.memory_space<vmem>>, vector<16xi32>,
    %get3A_141 = vector.shape_cast %get3A_140 : vector<16xi32> to vector<16xi32>
    %mul3A_142 = arith.constant 2 : i32
    %mul3A_143 = vector.broadcast %mul3A_142 : i32 to vector<16xi32>
    %mul3A_144 = arith.muli %get3A_141, %mul3A_143 : vector<16xi32>
    %swap3A_145 = arith.constant 96 : index
    %swap3A_146 = tpu.vector_load %arg6[%swap3A_145] {strides = array<i32>} : memref<640xi32, #tpu.memory_space<vmem>>, vector<16xi32>,
    %swap3A_147 = vector.shape_cast %swap3A_146 : vector<16xi32> to vector<16xi32>
    %swap3A_148 = vector.shape_cast %mul3A_144 : vector<16xi32> to vector<16xi32>
    tpu.vector_store %arg6[%swap3A_145], %swap3A_148 {strides = array<i32>} : memref<640xi32, #tpu.memory_space<vmem>>, vector<16xi32>,
    %get3A_149 = arith.constant 96 : index
    %get3A_150 = tpu.vector_load %arg7[%get3A_149] {strides = array<i32>} : memref<640xi32, #tpu.memory_space<vmem>>, vector<16xi32>,
    %get3A_151 = vector.shape_cast %get3A_150 : vector<16xi32> to vector<16xi32>
    %mul3A_152 = arith.constant 2 : i32
    %mul3A_153 = vector.broadcast %mul3A_152 : i32 to vector<16xi32>
    %mul3A_154 = arith.muli %get3A_151, %mul3A_153 : vector<16xi32>
    %add3A_155 = arith.constant 1 : i32
    %add3A_156 = vector.broadcast %add3A_155 : i32 to vector<16xi32>
    %add3A_157 = arith.addi %mul3A_154, %add3A_156 : vector<16xi32>
    %swap3A_158 = arith.constant 96 : index
    %swap3A_159 = tpu.vector_load %arg7[%swap3A_158] {strides = array<i32>} : memref<640xi32, #tpu.memory_space<vmem>>, vector<16xi32>,
    %swap3A_160 = vector.shape_cast %swap3A_159 : vector<16xi32> to vector<16xi32>
    %swap3A_161 = vector.shape_cast %add3A_157 : vector<16xi32> to vector<16xi32>
    tpu.vector_store %arg7[%swap3A_158], %swap3A_161 {strides = array<i32>} : memref<640xi32, #tpu.memory_space<vmem>>, vector<16xi32>,
    %get3A_162 = arith.constant 112 : index
    %get3A_163 = tpu.vector_load %arg6[%get3A_162] {strides = array<i32>} : memref<640xi32, #tpu.memory_space<vmem>>, vector<16xi32>,
    %get3A_164 = vector.shape_cast %get3A_163 : vector<16xi32> to vector<16xi32>
    %mul3A_165 = arith.constant 2 : i32
    %mul3A_166 = vector.broadcast %mul3A_165 : i32 to vector<16xi32>
    %mul3A_167 = arith.muli %get3A_164, %mul3A_166 : vector<16xi32>
    %swap3A_168 = arith.constant 112 : index
    %swap3A_169 = tpu.vector_load %arg6[%swap3A_168] {strides = array<i32>} : memref<640xi32, #tpu.memory_space<vmem>>, vector<16xi32>,
    %swap3A_170 = vector.shape_cast %swap3A_169 : vector<16xi32> to vector<16xi32>
    %swap3A_171 = vector.shape_cast %mul3A_167 : vector<16xi32> to vector<16xi32>
    tpu.vector_store %arg6[%swap3A_168], %swap3A_171 {strides = array<i32>} : memref<640xi32, #tpu.memory_space<vmem>>, vector<16xi32>,
    %get3A_172 = arith.constant 112 : index
    %get3A_173 = tpu.vector_load %arg7[%get3A_172] {strides = array<i32>} : memref<640xi32, #tpu.memory_space<vmem>>, vector<16xi32>,
    %get3A_174 = vector.shape_cast %get3A_173 : vector<16xi32> to vector<16xi32>
    %mul3A_175 = arith.constant 2 : i32
    %mul3A_176 = vector.broadcast %mul3A_175 : i32 to vector<16xi32>
    %mul3A_177 = arith.muli %get3A_174, %mul3A_176 : vector<16xi32>
    %add3A_178 = arith.constant 1 : i32
    %add3A_179 = vector.broadcast %add3A_178 : i32 to vector<16xi32>
    %add3A_180 = arith.addi %mul3A_177, %add3A_179 : vector<16xi32>
    %swap3A_181 = arith.constant 112 : index
    %swap3A_182 = tpu.vector_load %arg7[%swap3A_181] {strides = array<i32>} : memref<640xi32, #tpu.memory_space<vmem>>, vector<16xi32>,
    %swap3A_183 = vector.shape_cast %swap3A_182 : vector<16xi32> to vector<16xi32>
    %swap3A_184 = vector.shape_cast %add3A_180 : vector<16xi32> to vector<16xi32>
    tpu.vector_store %arg7[%swap3A_181], %swap3A_184 {strides = array<i32>} : memref<640xi32, #tpu.memory_space<vmem>>, vector<16xi32>,
    %get3A_185 = arith.constant 128 : index
    %get3A_186 = tpu.vector_load %arg6[%get3A_185] {strides = array<i32>} : memref<640xi32, #tpu.memory_space<vmem>>, vector<16xi32>,
    %get3A_187 = vector.shape_cast %get3A_186 : vector<16xi32> to vector<16xi32>
    %mul3A_188 = arith.constant 2 : i32
    %mul3A_189 = vector.broadcast %mul3A_188 : i32 to vector<16xi32>
    %mul3A_190 = arith.muli %get3A_187, %mul3A_189 : vector<16xi32>
    %swap3A_191 = arith.constant 128 : index
    %swap3A_192 = tpu.vector_load %arg6[%swap3A_191] {strides = array<i32>} : memref<640xi32, #tpu.memory_space<vmem>>, vector<16xi32>,
    %swap3A_193 = vector.shape_cast %swap3A_192 : vector<16xi32> to vector<16xi32>
    %swap3A_194 = vector.shape_cast %mul3A_190 : vector<16xi32> to vector<16xi32>
    tpu.vector_store %arg6[%swap3A_191], %swap3A_194 {strides = array<i32>} : memref<640xi32, #tpu.memory_space<vmem>>, vector<16xi32>,
    %get3A_195 = arith.constant 128 : index
    %get3A_196 = tpu.vector_load %arg7[%get3A_195] {strides = array<i32>} : memref<640xi32, #tpu.memory_space<vmem>>, vector<16xi32>,
    %get3A_197 = vector.shape_cast %get3A_196 : vector<16xi32> to vector<16xi32>
    %mul3A_198 = arith.constant 2 : i32
    %mul3A_199 = vector.broadcast %mul3A_198 : i32 to vector<16xi32>
    %mul3A_200 = arith.muli %get3A_197, %mul3A_199 : vector<16xi32>
    %add3A_201 = arith.constant 1 : i32
    %add3A_202 = vector.broadcast %add3A_201 : i32 to vector<16xi32>
    %add3A_203 = arith.addi %mul3A_200, %add3A_202 : vector<16xi32>
    %swap3A_204 = arith.constant 128 : index
    %swap3A_205 = tpu.vector_load %arg7[%swap3A_204] {strides = array<i32>} : memref<640xi32, #tpu.memory_space<vmem>>, vector<16xi32>,
    %swap3A_206 = vector.shape_cast %swap3A_205 : vector<16xi32> to vector<16xi32>
    %swap3A_207 = vector.shape_cast %add3A_203 : vector<16xi32> to vector<16xi32>
    tpu.vector_store %arg7[%swap3A_204], %swap3A_207 {strides = array<i32>} : memref<640xi32, #tpu.memory_space<vmem>>, vector<16xi32>,
    %get3A_208 = arith.constant 144 : index
    %get3A_209 = tpu.vector_load %arg6[%get3A_208] {strides = array<i32>} : memref<640xi32, #tpu.memory_space<vmem>>, vector<16xi32>,
    %get3A_210 = vector.shape_cast %get3A_209 : vector<16xi32> to vector<16xi32>
    %mul3A_211 = arith.constant 2 : i32
    %mul3A_212 = vector.broadcast %mul3A_211 : i32 to vector<16xi32>
    %mul3A_213 = arith.muli %get3A_210, %mul3A_212 : vector<16xi32>
    %swap3A_214 = arith.constant 144 : index
    %swap3A_215 = tpu.vector_load %arg6[%swap3A_214] {strides = array<i32>} : memref<640xi32, #tpu.memory_space<vmem>>, vector<16xi32>,
    %swap3A_216 = vector.shape_cast %swap3A_215 : vector<16xi32> to vector<16xi32>
    %swap3A_217 = vector.shape_cast %mul3A_213 : vector<16xi32> to vector<16xi32>
    tpu.vector_store %arg6[%swap3A_214], %swap3A_217 {strides = array<i32>} : memref<640xi32, #tpu.memory_space<vmem>>, vector<16xi32>,
    %get3A_218 = arith.constant 144 : index
    %get3A_219 = tpu.vector_load %arg7[%get3A_218] {strides = array<i32>} : memref<640xi32, #tpu.memory_space<vmem>>, vector<16xi32>,
    %get3A_220 = vector.shape_cast %get3A_219 : vector<16xi32> to vector<16xi32>
    %mul3A_221 = arith.constant 2 : i32
    %mul3A_222 = vector.broadcast %mul3A_221 : i32 to vector<16xi32>
    %mul3A_223 = arith.muli %get3A_220, %mul3A_222 : vector<16xi32>
    %add3A_224 = arith.constant 1 : i32
    %add3A_225 = vector.broadcast %add3A_224 : i32 to vector<16xi32>
    %add3A_226 = arith.addi %mul3A_223, %add3A_225 : vector<16xi32>
    %swap3A_227 = arith.constant 144 : index
    %swap3A_228 = tpu.vector_load %arg7[%swap3A_227] {strides = array<i32>} : memref<640xi32, #tpu.memory_space<vmem>>, vector<16xi32>,
    %swap3A_229 = vector.shape_cast %swap3A_228 : vector<16xi32> to vector<16xi32>
    %swap3A_230 = vector.shape_cast %add3A_226 : vector<16xi32> to vector<16xi32>
    tpu.vector_store %arg7[%swap3A_227], %swap3A_230 {strides = array<i32>} : memref<640xi32, #tpu.memory_space<vmem>>, vector<16xi32>,
    %get3A_231 = arith.constant 160 : index
    %get3A_232 = tpu.vector_load %arg6[%get3A_231] {strides = array<i32>} : memref<640xi32, #tpu.memory_space<vmem>>, vector<16xi32>,
    %get3A_233 = vector.shape_cast %get3A_232 : vector<16xi32> to vector<16xi32>
    %mul3A_234 = arith.constant 2 : i32
    %mul3A_235 = vector.broadcast %mul3A_234 : i32 to vector<16xi32>
    %mul3A_236 = arith.muli %get3A_233, %mul3A_235 : vector<16xi32>
    %swap3A_237 = arith.constant 160 : index
    %swap3A_238 = tpu.vector_load %arg6[%swap3A_237] {strides = array<i32>} : memref<640xi32, #tpu.memory_space<vmem>>, vector<16xi32>,
    %swap3A_239 = vector.shape_cast %swap3A_238 : vector<16xi32> to vector<16xi32>
    %swap3A_240 = vector.shape_cast %mul3A_236 : vector<16xi32> to vector<16xi32>
    tpu.vector_store %arg6[%swap3A_237], %swap3A_240 {strides = array<i32>} : memref<640xi32, #tpu.memory_space<vmem>>, vector<16xi32>,
    %get3A_241 = arith.constant 160 : index
    %get3A_242 = tpu.vector_load %arg7[%get3A_241] {strides = array<i32>} : memref<640xi32, #tpu.memory_space<vmem>>, vector<16xi32>,
    %get3A_243 = vector.shape_cast %get3A_242 : vector<16xi32> to vector<16xi32>
    %mul3A_244 = arith.constant 2 : i32
    %mul3A_245 = vector.broadcast %mul3A_244 : i32 to vector<16xi32>
    %mul3A_246 = arith.muli %get3A_243, %mul3A_245 : vector<16xi32>
    %add3A_247 = arith.constant 1 : i32
    %add3A_248 = vector.broadcast %add3A_247 : i32 to vector<16xi32>
    %add3A_249 = arith.addi %mul3A_246, %add3A_248 : vector<16xi32>
    %swap3A_250 = arith.constant 160 : index
    %swap3A_251 = tpu.vector_load %arg7[%swap3A_250] {strides = array<i32>} : memref<640xi32, #tpu.memory_space<vmem>>, vector<16xi32>,
    %swap3A_252 = vector.shape_cast %swap3A_251 : vector<16xi32> to vector<16xi32>
    %swap3A_253 = vector.shape_cast %add3A_249 : vector<16xi32> to vector<16xi32>
    tpu.vector_store %arg7[%swap3A_250], %swap3A_253 {strides = array<i32>} : memref<640xi32, #tpu.memory_space<vmem>>, vector<16xi32>,
    %get3A_254 = arith.constant 176 : index
    %get3A_255 = tpu.vector_load %arg6[%get3A_254] {strides = array<i32>} : memref<640xi32, #tpu.memory_space<vmem>>, vector<16xi32>,
    %get3A_256 = vector.shape_cast %get3A_255 : vector<16xi32> to vector<16xi32>
    %mul3A_257 = arith.constant 2 : i32
    %mul3A_258 = vector.broadcast %mul3A_257 : i32 to vector<16xi32>
    %mul3A_259 = arith.muli %get3A_256, %mul3A_258 : vector<16xi32>
    %swap3A_260 = arith.constant 176 : index
    %swap3A_261 = tpu.vector_load %arg6[%swap3A_260] {strides = array<i32>} : memref<640xi32, #tpu.memory_space<vmem>>, vector<16xi32>,
    %swap3A_262 = vector.shape_cast %swap3A_261 : vector<16xi32> to vector<16xi32>
    %swap3A_263 = vector.shape_cast %mul3A_259 : vector<16xi32> to vector<16xi32>
    tpu.vector_store %arg6[%swap3A_260], %swap3A_263 {strides = array<i32>} : memref<640xi32, #tpu.memory_space<vmem>>, vector<16xi32>,
    %get3A_264 = arith.constant 176 : index
    %get3A_265 = tpu.vector_load %arg7[%get3A_264] {strides = array<i32>} : memref<640xi32, #tpu.memory_space<vmem>>, vector<16xi32>,
    %get3A_266 = vector.shape_cast %get3A_265 : vector<16xi32> to vector<16xi32>
    %mul3A_267 = arith.constant 2 : i32
    %mul3A_268 = vector.broadcast %mul3A_267 : i32 to vector<16xi32>
    %mul3A_269 = arith.muli %get3A_266, %mul3A_268 : vector<16xi32>
    %add3A_270 = arith.constant 1 : i32
    %add3A_271 = vector.broadcast %add3A_270 : i32 to vector<16xi32>
    %add3A_272 = arith.addi %mul3A_269, %add3A_271 : vector<16xi32>
    %swap3A_273 = arith.constant 176 : index
    %swap3A_274 = tpu.vector_load %arg7[%swap3A_273] {strides = array<i32>} : memref<640xi32, #tpu.memory_space<vmem>>, vector<16xi32>,
    %swap3A_275 = vector.shape_cast %swap3A_274 : vector<16xi32> to vector<16xi32>
    %swap3A_276 = vector.shape_cast %add3A_272 : vector<16xi32> to vector<16xi32>
    tpu.vector_store %arg7[%swap3A_273], %swap3A_276 {strides = array<i32>} : memref<640xi32, #tpu.memory_space<vmem>>, vector<16xi32>,
    %get3A_277 = arith.constant 192 : index
    %get3A_278 = tpu.vector_load %arg6[%get3A_277] {strides = array<i32>} : memref<640xi32, #tpu.memory_space<vmem>>, vector<16xi32>,
    %get3A_279 = vector.shape_cast %get3A_278 : vector<16xi32> to vector<16xi32>
    %mul3A_280 = arith.constant 2 : i32
    %mul3A_281 = vector.broadcast %mul3A_280 : i32 to vector<16xi32>
    %mul3A_282 = arith.muli %get3A_279, %mul3A_281 : vector<16xi32>
    %swap3A_283 = arith.constant 192 : index
    %swap3A_284 = tpu.vector_load %arg6[%swap3A_283] {strides = array<i32>} : memref<640xi32, #tpu.memory_space<vmem>>, vector<16xi32>,
    %swap3A_285 = vector.shape_cast %swap3A_284 : vector<16xi32> to vector<16xi32>
    %swap3A_286 = vector.shape_cast %mul3A_282 : vector<16xi32> to vector<16xi32>
    tpu.vector_store %arg6[%swap3A_283], %swap3A_286 {strides = array<i32>} : memref<640xi32, #tpu.memory_space<vmem>>, vector<16xi32>,
    %get3A_287 = arith.constant 192 : index
    %get3A_288 = tpu.vector_load %arg7[%get3A_287] {strides = array<i32>} : memref<640xi32, #tpu.memory_space<vmem>>, vector<16xi32>,
    %get3A_289 = vector.shape_cast %get3A_288 : vector<16xi32> to vector<16xi32>
    %mul3A_290 = arith.constant 2 : i32
    %mul3A_291 = vector.broadcast %mul3A_290 : i32 to vector<16xi32>
    %mul3A_292 = arith.muli %get3A_289, %mul3A_291 : vector<16xi32>
    %add3A_293 = arith.constant 1 : i32
    %add3A_294 = vector.broadcast %add3A_293 : i32 to vector<16xi32>
    %add3A_295 = arith.addi %mul3A_292, %add3A_294 : vector<16xi32>
    %swap3A_296 = arith.constant 192 : index
    %swap3A_297 = tpu.vector_load %arg7[%swap3A_296] {strides = array<i32>} : memref<640xi32, #tpu.memory_space<vmem>>, vector<16xi32>,
    %swap3A_298 = vector.shape_cast %swap3A_297 : vector<16xi32> to vector<16xi32>
    %swap3A_299 = vector.shape_cast %add3A_295 : vector<16xi32> to vector<16xi32>
    tpu.vector_store %arg7[%swap3A_296], %swap3A_299 {strides = array<i32>} : memref<640xi32, #tpu.memory_space<vmem>>, vector<16xi32>,
    %get3A_300 = arith.constant 208 : index
    %get3A_301 = tpu.vector_load %arg6[%get3A_300] {strides = array<i32>} : memref<640xi32, #tpu.memory_space<vmem>>, vector<16xi32>,
    %get3A_302 = vector.shape_cast %get3A_301 : vector<16xi32> to vector<16xi32>
    %mul3A_303 = arith.constant 2 : i32
    %mul3A_304 = vector.broadcast %mul3A_303 : i32 to vector<16xi32>
    %mul3A_305 = arith.muli %get3A_302, %mul3A_304 : vector<16xi32>
    %swap3A_306 = arith.constant 208 : index
    %swap3A_307 = tpu.vector_load %arg6[%swap3A_306] {strides = array<i32>} : memref<640xi32, #tpu.memory_space<vmem>>, vector<16xi32>,
    %swap3A_308 = vector.shape_cast %swap3A_307 : vector<16xi32> to vector<16xi32>
    %swap3A_309 = vector.shape_cast %mul3A_305 : vector<16xi32> to vector<16xi32>
    tpu.vector_store %arg6[%swap3A_306], %swap3A_309 {strides = array<i32>} : memref<640xi32, #tpu.memory_space<vmem>>, vector<16xi32>,
    %get3A_310 = arith.constant 208 : index
    %get3A_311 = tpu.vector_load %arg7[%get3A_310] {strides = array<i32>} : memref<640xi32, #tpu.memory_space<vmem>>, vector<16xi32>,
    %get3A_312 = vector.shape_cast %get3A_311 : vector<16xi32> to vector<16xi32>
    %mul3A_313 = arith.constant 2 : i32
    %mul3A_314 = vector.broadcast %mul3A_313 : i32 to vector<16xi32>
    %mul3A_315 = arith.muli %get3A_312, %mul3A_314 : vector<16xi32>
    %add3A_316 = arith.constant 1 : i32
    %add3A_317 = vector.broadcast %add3A_316 : i32 to vector<16xi32>
    %add3A_318 = arith.addi %mul3A_315, %add3A_317 : vector<16xi32>
    %swap3A_319 = arith.constant 208 : index
    %swap3A_320 = tpu.vector_load %arg7[%swap3A_319] {strides = array<i32>} : memref<640xi32, #tpu.memory_space<vmem>>, vector<16xi32>,
    %swap3A_321 = vector.shape_cast %swap3A_320 : vector<16xi32> to vector<16xi32>
    %swap3A_322 = vector.shape_cast %add3A_318 : vector<16xi32> to vector<16xi32>
    tpu.vector_store %arg7[%swap3A_319], %swap3A_322 {strides = array<i32>} : memref<640xi32, #tpu.memory_space<vmem>>, vector<16xi32>,
    %get3A_323 = arith.constant 224 : index
    %get3A_324 = tpu.vector_load %arg6[%get3A_323] {strides = array<i32>} : memref<640xi32, #tpu.memory_space<vmem>>, vector<16xi32>,
    %get3A_325 = vector.shape_cast %get3A_324 : vector<16xi32> to vector<16xi32>
    %mul3A_326 = arith.constant 2 : i32
    %mul3A_327 = vector.broadcast %mul3A_326 : i32 to vector<16xi32>
    %mul3A_328 = arith.muli %get3A_325, %mul3A_327 : vector<16xi32>
    %swap3A_329 = arith.constant 224 : index
    %swap3A_330 = tpu.vector_load %arg6[%swap3A_329] {strides = array<i32>} : memref<640xi32, #tpu.memory_space<vmem>>, vector<16xi32>,
    %swap3A_331 = vector.shape_cast %swap3A_330 : vector<16xi32> to vector<16xi32>
    %swap3A_332 = vector.shape_cast %mul3A_328 : vector<16xi32> to vector<16xi32>
    tpu.vector_store %arg6[%swap3A_329], %swap3A_332 {strides = array<i32>} : memref<640xi32, #tpu.memory_space<vmem>>, vector<16xi32>,
    %get3A_333 = arith.constant 224 : index
    %get3A_334 = tpu.vector_load %arg7[%get3A_333] {strides = array<i32>} : memref<640xi32, #tpu.memory_space<vmem>>, vector<16xi32>,
    %get3A_335 = vector.shape_cast %get3A_334 : vector<16xi32> to vector<16xi32>
    %mul3A_336 = arith.constant 2 : i32
    %mul3A_337 = vector.broadcast %mul3A_336 : i32 to vector<16xi32>
    %mul3A_338 = arith.muli %get3A_335, %mul3A_337 : vector<16xi32>
    %add3A_339 = arith.constant 1 : i32
    %add3A_340 = vector.broadcast %add3A_339 : i32 to vector<16xi32>
    %add3A_341 = arith.addi %mul3A_338, %add3A_340 : vector<16xi32>
    %swap3A_342 = arith.constant 224 : index
    %swap3A_343 = tpu.vector_load %arg7[%swap3A_342] {strides = array<i32>} : memref<640xi32, #tpu.memory_space<vmem>>, vector<16xi32>,
    %swap3A_344 = vector.shape_cast %swap3A_343 : vector<16xi32> to vector<16xi32>
    %swap3A_345 = vector.shape_cast %add3A_341 : vector<16xi32> to vector<16xi32>
    tpu.vector_store %arg7[%swap3A_342], %swap3A_345 {strides = array<i32>} : memref<640xi32, #tpu.memory_space<vmem>>, vector<16xi32>,
    %get3A_346 = arith.constant 240 : index
    %get3A_347 = tpu.vector_load %arg6[%get3A_346] {strides = array<i32>} : memref<640xi32, #tpu.memory_space<vmem>>, vector<16xi32>,
    %get3A_348 = vector.shape_cast %get3A_347 : vector<16xi32> to vector<16xi32>
    %mul3A_349 = arith.constant 2 : i32
    %mul3A_350 = vector.broadcast %mul3A_349 : i32 to vector<16xi32>
    %mul3A_351 = arith.muli %get3A_348, %mul3A_350 : vector<16xi32>
    %swap3A_352 = arith.constant 240 : index
    %swap3A_353 = tpu.vector_load %arg6[%swap3A_352] {strides = array<i32>} : memref<640xi32, #tpu.memory_space<vmem>>, vector<16xi32>,
    %swap3A_354 = vector.shape_cast %swap3A_353 : vector<16xi32> to vector<16xi32>
    %swap3A_355 = vector.shape_cast %mul3A_351 : vector<16xi32> to vector<16xi32>
    tpu.vector_store %arg6[%swap3A_352], %swap3A_355 {strides = array<i32>} : memref<640xi32, #tpu.memory_space<vmem>>, vector<16xi32>,
    %get3A_356 = arith.constant 240 : index
    %get3A_357 = tpu.vector_load %arg7[%get3A_356] {strides = array<i32>} : memref<640xi32, #tpu.memory_space<vmem>>, vector<16xi32>,
    %get3A_358 = vector.shape_cast %get3A_357 : vector<16xi32> to vector<16xi32>
    %mul3A_359 = arith.constant 2 : i32
    %mul3A_360 = vector.broadcast %mul3A_359 : i32 to vector<16xi32>
    %mul3A_361 = arith.muli %get3A_358, %mul3A_360 : vector<16xi32>
    %add3A_362 = arith.constant 1 : i32
    %add3A_363 = vector.broadcast %add3A_362 : i32 to vector<16xi32>
    %add3A_364 = arith.addi %mul3A_361, %add3A_363 : vector<16xi32>
    %swap3A_365 = arith.constant 240 : index
    %swap3A_366 = tpu.vector_load %arg7[%swap3A_365] {strides = array<i32>} : memref<640xi32, #tpu.memory_space<vmem>>, vector<16xi32>,
    %swap3A_367 = vector.shape_cast %swap3A_366 : vector<16xi32> to vector<16xi32>
    %swap3A_368 = vector.shape_cast %add3A_364 : vector<16xi32> to vector<16xi32>
    tpu.vector_store %arg7[%swap3A_365], %swap3A_368 {strides = array<i32>} : memref<640xi32, #tpu.memory_space<vmem>>, vector<16xi32>,
    %get3A_369 = arith.constant 256 : index
    %get3A_370 = tpu.vector_load %arg6[%get3A_369] {strides = array<i32>} : memref<640xi32, #tpu.memory_space<vmem>>, vector<16xi32>,
    %get3A_371 = vector.shape_cast %get3A_370 : vector<16xi32> to vector<16xi32>
    %mul3A_372 = arith.constant 2 : i32
    %mul3A_373 = vector.broadcast %mul3A_372 : i32 to vector<16xi32>
    %mul3A_374 = arith.muli %get3A_371, %mul3A_373 : vector<16xi32>
    %swap3A_375 = arith.constant 256 : index
    %swap3A_376 = tpu.vector_load %arg6[%swap3A_375] {strides = array<i32>} : memref<640xi32, #tpu.memory_space<vmem>>, vector<16xi32>,
    %swap3A_377 = vector.shape_cast %swap3A_376 : vector<16xi32> to vector<16xi32>
    %swap3A_378 = vector.shape_cast %mul3A_374 : vector<16xi32> to vector<16xi32>
    tpu.vector_store %arg6[%swap3A_375], %swap3A_378 {strides = array<i32>} : memref<640xi32, #tpu.memory_space<vmem>>, vector<16xi32>,
    %get3A_379 = arith.constant 256 : index
    %get3A_380 = tpu.vector_load %arg7[%get3A_379] {strides = array<i32>} : memref<640xi32, #tpu.memory_space<vmem>>, vector<16xi32>,
    %get3A_381 = vector.shape_cast %get3A_380 : vector<16xi32> to vector<16xi32>
    %mul3A_382 = arith.constant 2 : i32
    %mul3A_383 = vector.broadcast %mul3A_382 : i32 to vector<16xi32>
    %mul3A_384 = arith.muli %get3A_381, %mul3A_383 : vector<16xi32>
    %add3A_385 = arith.constant 1 : i32
    %add3A_386 = vector.broadcast %add3A_385 : i32 to vector<16xi32>
    %add3A_387 = arith.addi %mul3A_384, %add3A_386 : vector<16xi32>
    %swap3A_388 = arith.constant 256 : index
    %swap3A_389 = tpu.vector_load %arg7[%swap3A_388] {strides = array<i32>} : memref<640xi32, #tpu.memory_space<vmem>>, vector<16xi32>,
    %swap3A_390 = vector.shape_cast %swap3A_389 : vector<16xi32> to vector<16xi32>
    %swap3A_391 = vector.shape_cast %add3A_387 : vector<16xi32> to vector<16xi32>
    tpu.vector_store %arg7[%swap3A_388], %swap3A_391 {strides = array<i32>} : memref<640xi32, #tpu.memory_space<vmem>>, vector<16xi32>,
    %get3A_392 = arith.constant 272 : index
    %get3A_393 = tpu.vector_load %arg6[%get3A_392] {strides = array<i32>} : memref<640xi32, #tpu.memory_space<vmem>>, vector<16xi32>,
    %get3A_394 = vector.shape_cast %get3A_393 : vector<16xi32> to vector<16xi32>
    %mul3A_395 = arith.constant 2 : i32
    %mul3A_396 = vector.broadcast %mul3A_395 : i32 to vector<16xi32>
    %mul3A_397 = arith.muli %get3A_394, %mul3A_396 : vector<16xi32>
    %swap3A_398 = arith.constant 272 : index
    %swap3A_399 = tpu.vector_load %arg6[%swap3A_398] {strides = array<i32>} : memref<640xi32, #tpu.memory_space<vmem>>, vector<16xi32>,
    %swap3A_400 = vector.shape_cast %swap3A_399 : vector<16xi32> to vector<16xi32>
    %swap3A_401 = vector.shape_cast %mul3A_397 : vector<16xi32> to vector<16xi32>
    tpu.vector_store %arg6[%swap3A_398], %swap3A_401 {strides = array<i32>} : memref<640xi32, #tpu.memory_space<vmem>>, vector<16xi32>,
    %get3A_402 = arith.constant 272 : index
    %get3A_403 = tpu.vector_load %arg7[%get3A_402] {strides = array<i32>} : memref<640xi32, #tpu.memory_space<vmem>>, vector<16xi32>,
    %get3A_404 = vector.shape_cast %get3A_403 : vector<16xi32> to vector<16xi32>
    %mul3A_405 = arith.constant 2 : i32
    %mul3A_406 = vector.broadcast %mul3A_405 : i32 to vector<16xi32>
    %mul3A_407 = arith.muli %get3A_404, %mul3A_406 : vector<16xi32>
    %add3A_408 = arith.constant 1 : i32
    %add3A_409 = vector.broadcast %add3A_408 : i32 to vector<16xi32>
    %add3A_410 = arith.addi %mul3A_407, %add3A_409 : vector<16xi32>
    %swap3A_411 = arith.constant 272 : index
    %swap3A_412 = tpu.vector_load %arg7[%swap3A_411] {strides = array<i32>} : memref<640xi32, #tpu.memory_space<vmem>>, vector<16xi32>,
    %swap3A_413 = vector.shape_cast %swap3A_412 : vector<16xi32> to vector<16xi32>
    %swap3A_414 = vector.shape_cast %add3A_410 : vector<16xi32> to vector<16xi32>
    tpu.vector_store %arg7[%swap3A_411], %swap3A_414 {strides = array<i32>} : memref<640xi32, #tpu.memory_space<vmem>>, vector<16xi32>,
    %get3A_415 = arith.constant 288 : index
    %get3A_416 = tpu.vector_load %arg6[%get3A_415] {strides = array<i32>} : memref<640xi32, #tpu.memory_space<vmem>>, vector<16xi32>,
    %get3A_417 = vector.shape_cast %get3A_416 : vector<16xi32> to vector<16xi32>
    %mul3A_418 = arith.constant 2 : i32
    %mul3A_419 = vector.broadcast %mul3A_418 : i32 to vector<16xi32>
    %mul3A_420 = arith.muli %get3A_417, %mul3A_419 : vector<16xi32>
    %swap3A_421 = arith.constant 288 : index
    %swap3A_422 = tpu.vector_load %arg6[%swap3A_421] {strides = array<i32>} : memref<640xi32, #tpu.memory_space<vmem>>, vector<16xi32>,
    %swap3A_423 = vector.shape_cast %swap3A_422 : vector<16xi32> to vector<16xi32>
    %swap3A_424 = vector.shape_cast %mul3A_420 : vector<16xi32> to vector<16xi32>
    tpu.vector_store %arg6[%swap3A_421], %swap3A_424 {strides = array<i32>} : memref<640xi32, #tpu.memory_space<vmem>>, vector<16xi32>,
    %get3A_425 = arith.constant 288 : index
    %get3A_426 = tpu.vector_load %arg7[%get3A_425] {strides = array<i32>} : memref<640xi32, #tpu.memory_space<vmem>>, vector<16xi32>,
    %get3A_427 = vector.shape_cast %get3A_426 : vector<16xi32> to vector<16xi32>
    %mul3A_428 = arith.constant 2 : i32
    %mul3A_429 = vector.broadcast %mul3A_428 : i32 to vector<16xi32>
    %mul3A_430 = arith.muli %get3A_427, %mul3A_429 : vector<16xi32>
    %add3A_431 = arith.constant 1 : i32
    %add3A_432 = vector.broadcast %add3A_431 : i32 to vector<16xi32>
    %add3A_433 = arith.addi %mul3A_430, %add3A_432 : vector<16xi32>
    %swap3A_434 = arith.constant 288 : index
    %swap3A_435 = tpu.vector_load %arg7[%swap3A_434] {strides = array<i32>} : memref<640xi32, #tpu.memory_space<vmem>>, vector<16xi32>,
    %swap3A_436 = vector.shape_cast %swap3A_435 : vector<16xi32> to vector<16xi32>
    %swap3A_437 = vector.shape_cast %add3A_433 : vector<16xi32> to vector<16xi32>
    tpu.vector_store %arg7[%swap3A_434], %swap3A_437 {strides = array<i32>} : memref<640xi32, #tpu.memory_space<vmem>>, vector<16xi32>,
    %get3A_438 = arith.constant 304 : index
    %get3A_439 = tpu.vector_load %arg6[%get3A_438] {strides = array<i32>} : memref<640xi32, #tpu.memory_space<vmem>>, vector<16xi32>,
    %get3A_440 = vector.shape_cast %get3A_439 : vector<16xi32> to vector<16xi32>
    %mul3A_441 = arith.constant 2 : i32
    %mul3A_442 = vector.broadcast %mul3A_441 : i32 to vector<16xi32>
    %mul3A_443 = arith.muli %get3A_440, %mul3A_442 : vector<16xi32>
    %swap3A_444 = arith.constant 304 : index
    %swap3A_445 = tpu.vector_load %arg6[%swap3A_444] {strides = array<i32>} : memref<640xi32, #tpu.memory_space<vmem>>, vector<16xi32>,
    %swap3A_446 = vector.shape_cast %swap3A_445 : vector<16xi32> to vector<16xi32>
    %swap3A_447 = vector.shape_cast %mul3A_443 : vector<16xi32> to vector<16xi32>
    tpu.vector_store %arg6[%swap3A_444], %swap3A_447 {strides = array<i32>} : memref<640xi32, #tpu.memory_space<vmem>>, vector<16xi32>,
    %get3A_448 = arith.constant 304 : index
    %get3A_449 = tpu.vector_load %arg7[%get3A_448] {strides = array<i32>} : memref<640xi32, #tpu.memory_space<vmem>>, vector<16xi32>,
    %get3A_450 = vector.shape_cast %get3A_449 : vector<16xi32> to vector<16xi32>
    %mul3A_451 = arith.constant 2 : i32
    %mul3A_452 = vector.broadcast %mul3A_451 : i32 to vector<16xi32>
    %mul3A_453 = arith.muli %get3A_450, %mul3A_452 : vector<16xi32>
    %add3A_454 = arith.constant 1 : i32
    %add3A_455 = vector.broadcast %add3A_454 : i32 to vector<16xi32>
    %add3A_456 = arith.addi %mul3A_453, %add3A_455 : vector<16xi32>
    %swap3A_457 = arith.constant 304 : index
    %swap3A_458 = tpu.vector_load %arg7[%swap3A_457] {strides = array<i32>} : memref<640xi32, #tpu.memory_space<vmem>>, vector<16xi32>,
    %swap3A_459 = vector.shape_cast %swap3A_458 : vector<16xi32> to vector<16xi32>
    %swap3A_460 = vector.shape_cast %add3A_456 : vector<16xi32> to vector<16xi32>
    tpu.vector_store %arg7[%swap3A_457], %swap3A_460 {strides = array<i32>} : memref<640xi32, #tpu.memory_space<vmem>>, vector<16xi32>,
    %get3A_461 = arith.constant 320 : index
    %get3A_462 = tpu.vector_load %arg6[%get3A_461] {strides = array<i32>} : memref<640xi32, #tpu.memory_space<vmem>>, vector<16xi32>,
    %get3A_463 = vector.shape_cast %get3A_462 : vector<16xi32> to vector<16xi32>
    %mul3A_464 = arith.constant 2 : i32
    %mul3A_465 = vector.broadcast %mul3A_464 : i32 to vector<16xi32>
    %mul3A_466 = arith.muli %get3A_463, %mul3A_465 : vector<16xi32>
    %swap3A_467 = arith.constant 320 : index
    %swap3A_468 = tpu.vector_load %arg6[%swap3A_467] {strides = array<i32>} : memref<640xi32, #tpu.memory_space<vmem>>, vector<16xi32>,
    %swap3A_469 = vector.shape_cast %swap3A_468 : vector<16xi32> to vector<16xi32>
    %swap3A_470 = vector.shape_cast %mul3A_466 : vector<16xi32> to vector<16xi32>
    tpu.vector_store %arg6[%swap3A_467], %swap3A_470 {strides = array<i32>} : memref<640xi32, #tpu.memory_space<vmem>>, vector<16xi32>,
    %get3A_471 = arith.constant 320 : index
    %get3A_472 = tpu.vector_load %arg7[%get3A_471] {strides = array<i32>} : memref<640xi32, #tpu.memory_space<vmem>>, vector<16xi32>,
    %get3A_473 = vector.shape_cast %get3A_472 : vector<16xi32> to vector<16xi32>
    %mul3A_474 = arith.constant 2 : i32
    %mul3A_475 = vector.broadcast %mul3A_474 : i32 to vector<16xi32>
    %mul3A_476 = arith.muli %get3A_473, %mul3A_475 : vector<16xi32>
    %add3A_477 = arith.constant 1 : i32
    %add3A_478 = vector.broadcast %add3A_477 : i32 to vector<16xi32>
    %add3A_479 = arith.addi %mul3A_476, %add3A_478 : vector<16xi32>
    %swap3A_480 = arith.constant 320 : index
    %swap3A_481 = tpu.vector_load %arg7[%swap3A_480] {strides = array<i32>} : memref<640xi32, #tpu.memory_space<vmem>>, vector<16xi32>,
    %swap3A_482 = vector.shape_cast %swap3A_481 : vector<16xi32> to vector<16xi32>
    %swap3A_483 = vector.shape_cast %add3A_479 : vector<16xi32> to vector<16xi32>
    tpu.vector_store %arg7[%swap3A_480], %swap3A_483 {strides = array<i32>} : memref<640xi32, #tpu.memory_space<vmem>>, vector<16xi32>,
    %get3A_484 = arith.constant 336 : index
    %get3A_485 = tpu.vector_load %arg6[%get3A_484] {strides = array<i32>} : memref<640xi32, #tpu.memory_space<vmem>>, vector<16xi32>,
    %get3A_486 = vector.shape_cast %get3A_485 : vector<16xi32> to vector<16xi32>
    %mul3A_487 = arith.constant 2 : i32
    %mul3A_488 = vector.broadcast %mul3A_487 : i32 to vector<16xi32>
    %mul3A_489 = arith.muli %get3A_486, %mul3A_488 : vector<16xi32>
    %swap3A_490 = arith.constant 336 : index
    %swap3A_491 = tpu.vector_load %arg6[%swap3A_490] {strides = array<i32>} : memref<640xi32, #tpu.memory_space<vmem>>, vector<16xi32>,
    %swap3A_492 = vector.shape_cast %swap3A_491 : vector<16xi32> to vector<16xi32>
    %swap3A_493 = vector.shape_cast %mul3A_489 : vector<16xi32> to vector<16xi32>
    tpu.vector_store %arg6[%swap3A_490], %swap3A_493 {strides = array<i32>} : memref<640xi32, #tpu.memory_space<vmem>>, vector<16xi32>,
    %get3A_494 = arith.constant 336 : index
    %get3A_495 = tpu.vector_load %arg7[%get3A_494] {strides = array<i32>} : memref<640xi32, #tpu.memory_space<vmem>>, vector<16xi32>,
    %get3A_496 = vector.shape_cast %get3A_495 : vector<16xi32> to vector<16xi32>
    %mul3A_497 = arith.constant 2 : i32
    %mul3A_498 = vector.broadcast %mul3A_497 : i32 to vector<16xi32>
    %mul3A_499 = arith.muli %get3A_496, %mul3A_498 : vector<16xi32>
    %add3A_500 = arith.constant 1 : i32
    %add3A_501 = vector.broadcast %add3A_500 : i32 to vector<16xi32>
    %add3A_502 = arith.addi %mul3A_499, %add3A_501 : vector<16xi32>
    %swap3A_503 = arith.constant 336 : index
    %swap3A_504 = tpu.vector_load %arg7[%swap3A_503] {strides = array<i32>} : memref<640xi32, #tpu.memory_space<vmem>>, vector<16xi32>,
    %swap3A_505 = vector.shape_cast %swap3A_504 : vector<16xi32> to vector<16xi32>
    %swap3A_506 = vector.shape_cast %add3A_502 : vector<16xi32> to vector<16xi32>
    tpu.vector_store %arg7[%swap3A_503], %swap3A_506 {strides = array<i32>} : memref<640xi32, #tpu.memory_space<vmem>>, vector<16xi32>,
    %get3A_507 = arith.constant 352 : index
    %get3A_508 = tpu.vector_load %arg6[%get3A_507] {strides = array<i32>} : memref<640xi32, #tpu.memory_space<vmem>>, vector<16xi32>,
    %get3A_509 = vector.shape_cast %get3A_508 : vector<16xi32> to vector<16xi32>
    %mul3A_510 = arith.constant 2 : i32
    %mul3A_511 = vector.broadcast %mul3A_510 : i32 to vector<16xi32>
    %mul3A_512 = arith.muli %get3A_509, %mul3A_511 : vector<16xi32>
    %swap3A_513 = arith.constant 352 : index
    %swap3A_514 = tpu.vector_load %arg6[%swap3A_513] {strides = array<i32>} : memref<640xi32, #tpu.memory_space<vmem>>, vector<16xi32>,
    %swap3A_515 = vector.shape_cast %swap3A_514 : vector<16xi32> to vector<16xi32>
    %swap3A_516 = vector.shape_cast %mul3A_512 : vector<16xi32> to vector<16xi32>
    tpu.vector_store %arg6[%swap3A_513], %swap3A_516 {strides = array<i32>} : memref<640xi32, #tpu.memory_space<vmem>>, vector<16xi32>,
    %get3A_517 = arith.constant 352 : index
    %get3A_518 = tpu.vector_load %arg7[%get3A_517] {strides = array<i32>} : memref<640xi32, #tpu.memory_space<vmem>>, vector<16xi32>,
    %get3A_519 = vector.shape_cast %get3A_518 : vector<16xi32> to vector<16xi32>
    %mul3A_520 = arith.constant 2 : i32
    %mul3A_521 = vector.broadcast %mul3A_520 : i32 to vector<16xi32>
    %mul3A_522 = arith.muli %get3A_519, %mul3A_521 : vector<16xi32>
    %add3A_523 = arith.constant 1 : i32
    %add3A_524 = vector.broadcast %add3A_523 : i32 to vector<16xi32>
    %add3A_525 = arith.addi %mul3A_522, %add3A_524 : vector<16xi32>
    %swap3A_526 = arith.constant 352 : index
    %swap3A_527 = tpu.vector_load %arg7[%swap3A_526] {strides = array<i32>} : memref<640xi32, #tpu.memory_space<vmem>>, vector<16xi32>,
    %swap3A_528 = vector.shape_cast %swap3A_527 : vector<16xi32> to vector<16xi32>
    %swap3A_529 = vector.shape_cast %add3A_525 : vector<16xi32> to vector<16xi32>
    tpu.vector_store %arg7[%swap3A_526], %swap3A_529 {strides = array<i32>} : memref<640xi32, #tpu.memory_space<vmem>>, vector<16xi32>,
    %get3A_530 = arith.constant 368 : index
    %get3A_531 = tpu.vector_load %arg6[%get3A_530] {strides = array<i32>} : memref<640xi32, #tpu.memory_space<vmem>>, vector<16xi32>,
    %get3A_532 = vector.shape_cast %get3A_531 : vector<16xi32> to vector<16xi32>
    %mul3A_533 = arith.constant 2 : i32
    %mul3A_534 = vector.broadcast %mul3A_533 : i32 to vector<16xi32>
    %mul3A_535 = arith.muli %get3A_532, %mul3A_534 : vector<16xi32>
    %swap3A_536 = arith.constant 368 : index
    %swap3A_537 = tpu.vector_load %arg6[%swap3A_536] {strides = array<i32>} : memref<640xi32, #tpu.memory_space<vmem>>, vector<16xi32>,
    %swap3A_538 = vector.shape_cast %swap3A_537 : vector<16xi32> to vector<16xi32>
    %swap3A_539 = vector.shape_cast %mul3A_535 : vector<16xi32> to vector<16xi32>
    tpu.vector_store %arg6[%swap3A_536], %swap3A_539 {strides = array<i32>} : memref<640xi32, #tpu.memory_space<vmem>>, vector<16xi32>,
    %get3A_540 = arith.constant 368 : index
    %get3A_541 = tpu.vector_load %arg7[%get3A_540] {strides = array<i32>} : memref<640xi32, #tpu.memory_space<vmem>>, vector<16xi32>,
    %get3A_542 = vector.shape_cast %get3A_541 : vector<16xi32> to vector<16xi32>
    %mul3A_543 = arith.constant 2 : i32
    %mul3A_544 = vector.broadcast %mul3A_543 : i32 to vector<16xi32>
    %mul3A_545 = arith.muli %get3A_542, %mul3A_544 : vector<16xi32>
    %add3A_546 = arith.constant 1 : i32
    %add3A_547 = vector.broadcast %add3A_546 : i32 to vector<16xi32>
    %add3A_548 = arith.addi %mul3A_545, %add3A_547 : vector<16xi32>
    %swap3A_549 = arith.constant 368 : index
    %swap3A_550 = tpu.vector_load %arg7[%swap3A_549] {strides = array<i32>} : memref<640xi32, #tpu.memory_space<vmem>>, vector<16xi32>,
    %swap3A_551 = vector.shape_cast %swap3A_550 : vector<16xi32> to vector<16xi32>
    %swap3A_552 = vector.shape_cast %add3A_548 : vector<16xi32> to vector<16xi32>
    tpu.vector_store %arg7[%swap3A_549], %swap3A_552 {strides = array<i32>} : memref<640xi32, #tpu.memory_space<vmem>>, vector<16xi32>,
    %get3A_553 = arith.constant 384 : index
    %get3A_554 = tpu.vector_load %arg6[%get3A_553] {strides = array<i32>} : memref<640xi32, #tpu.memory_space<vmem>>, vector<16xi32>,
    %get3A_555 = vector.shape_cast %get3A_554 : vector<16xi32> to vector<16xi32>
    %mul3A_556 = arith.constant 2 : i32
    %mul3A_557 = vector.broadcast %mul3A_556 : i32 to vector<16xi32>
    %mul3A_558 = arith.muli %get3A_555, %mul3A_557 : vector<16xi32>
    %swap3A_559 = arith.constant 384 : index
    %swap3A_560 = tpu.vector_load %arg6[%swap3A_559] {strides = array<i32>} : memref<640xi32, #tpu.memory_space<vmem>>, vector<16xi32>,
    %swap3A_561 = vector.shape_cast %swap3A_560 : vector<16xi32> to vector<16xi32>
    %swap3A_562 = vector.shape_cast %mul3A_558 : vector<16xi32> to vector<16xi32>
    tpu.vector_store %arg6[%swap3A_559], %swap3A_562 {strides = array<i32>} : memref<640xi32, #tpu.memory_space<vmem>>, vector<16xi32>,
    %get3A_563 = arith.constant 384 : index
    %get3A_564 = tpu.vector_load %arg7[%get3A_563] {strides = array<i32>} : memref<640xi32, #tpu.memory_space<vmem>>, vector<16xi32>,
    %get3A_565 = vector.shape_cast %get3A_564 : vector<16xi32> to vector<16xi32>
    %mul3A_566 = arith.constant 2 : i32
    %mul3A_567 = vector.broadcast %mul3A_566 : i32 to vector<16xi32>
    %mul3A_568 = arith.muli %get3A_565, %mul3A_567 : vector<16xi32>
    %add3A_569 = arith.constant 1 : i32
    %add3A_570 = vector.broadcast %add3A_569 : i32 to vector<16xi32>
    %add3A_571 = arith.addi %mul3A_568, %add3A_570 : vector<16xi32>
    %swap3A_572 = arith.constant 384 : index
    %swap3A_573 = tpu.vector_load %arg7[%swap3A_572] {strides = array<i32>} : memref<640xi32, #tpu.memory_space<vmem>>, vector<16xi32>,
    %swap3A_574 = vector.shape_cast %swap3A_573 : vector<16xi32> to vector<16xi32>
    %swap3A_575 = vector.shape_cast %add3A_571 : vector<16xi32> to vector<16xi32>
    tpu.vector_store %arg7[%swap3A_572], %swap3A_575 {strides = array<i32>} : memref<640xi32, #tpu.memory_space<vmem>>, vector<16xi32>,
    %get3A_576 = arith.constant 400 : index
    %get3A_577 = tpu.vector_load %arg6[%get3A_576] {strides = array<i32>} : memref<640xi32, #tpu.memory_space<vmem>>, vector<16xi32>,
    %get3A_578 = vector.shape_cast %get3A_577 : vector<16xi32> to vector<16xi32>
    %mul3A_579 = arith.constant 2 : i32
    %mul3A_580 = vector.broadcast %mul3A_579 : i32 to vector<16xi32>
    %mul3A_581 = arith.muli %get3A_578, %mul3A_580 : vector<16xi32>
    %swap3A_582 = arith.constant 400 : index
    %swap3A_583 = tpu.vector_load %arg6[%swap3A_582] {strides = array<i32>} : memref<640xi32, #tpu.memory_space<vmem>>, vector<16xi32>,
    %swap3A_584 = vector.shape_cast %swap3A_583 : vector<16xi32> to vector<16xi32>
    %swap3A_585 = vector.shape_cast %mul3A_581 : vector<16xi32> to vector<16xi32>
    tpu.vector_store %arg6[%swap3A_582], %swap3A_585 {strides = array<i32>} : memref<640xi32, #tpu.memory_space<vmem>>, vector<16xi32>,
    %get3A_586 = arith.constant 400 : index
    %get3A_587 = tpu.vector_load %arg7[%get3A_586] {strides = array<i32>} : memref<640xi32, #tpu.memory_space<vmem>>, vector<16xi32>,
    %get3A_588 = vector.shape_cast %get3A_587 : vector<16xi32> to vector<16xi32>
    %mul3A_589 = arith.constant 2 : i32
    %mul3A_590 = vector.broadcast %mul3A_589 : i32 to vector<16xi32>
    %mul3A_591 = arith.muli %get3A_588, %mul3A_590 : vector<16xi32>
    %add3A_592 = arith.constant 1 : i32
    %add3A_593 = vector.broadcast %add3A_592 : i32 to vector<16xi32>
    %add3A_594 = arith.addi %mul3A_591, %add3A_593 : vector<16xi32>
    %swap3A_595 = arith.constant 400 : index
    %swap3A_596 = tpu.vector_load %arg7[%swap3A_595] {strides = array<i32>} : memref<640xi32, #tpu.memory_space<vmem>>, vector<16xi32>,
    %swap3A_597 = vector.shape_cast %swap3A_596 : vector<16xi32> to vector<16xi32>
    %swap3A_598 = vector.shape_cast %add3A_594 : vector<16xi32> to vector<16xi32>
    tpu.vector_store %arg7[%swap3A_595], %swap3A_598 {strides = array<i32>} : memref<640xi32, #tpu.memory_space<vmem>>, vector<16xi32>,
    %get3A_599 = arith.constant 416 : index
    %get3A_600 = tpu.vector_load %arg6[%get3A_599] {strides = array<i32>} : memref<640xi32, #tpu.memory_space<vmem>>, vector<16xi32>,
    %get3A_601 = vector.shape_cast %get3A_600 : vector<16xi32> to vector<16xi32>
    %mul3A_602 = arith.constant 2 : i32
    %mul3A_603 = vector.broadcast %mul3A_602 : i32 to vector<16xi32>
    %mul3A_604 = arith.muli %get3A_601, %mul3A_603 : vector<16xi32>
    %swap3A_605 = arith.constant 416 : index
    %swap3A_606 = tpu.vector_load %arg6[%swap3A_605] {strides = array<i32>} : memref<640xi32, #tpu.memory_space<vmem>>, vector<16xi32>,
    %swap3A_607 = vector.shape_cast %swap3A_606 : vector<16xi32> to vector<16xi32>
    %swap3A_608 = vector.shape_cast %mul3A_604 : vector<16xi32> to vector<16xi32>
    tpu.vector_store %arg6[%swap3A_605], %swap3A_608 {strides = array<i32>} : memref<640xi32, #tpu.memory_space<vmem>>, vector<16xi32>,
    %get3A_609 = arith.constant 416 : index
    %get3A_610 = tpu.vector_load %arg7[%get3A_609] {strides = array<i32>} : memref<640xi32, #tpu.memory_space<vmem>>, vector<16xi32>,
    %get3A_611 = vector.shape_cast %get3A_610 : vector<16xi32> to vector<16xi32>
    %mul3A_612 = arith.constant 2 : i32
    %mul3A_613 = vector.broadcast %mul3A_612 : i32 to vector<16xi32>
    %mul3A_614 = arith.muli %get3A_611, %mul3A_613 : vector<16xi32>
    %add3A_615 = arith.constant 1 : i32
    %add3A_616 = vector.broadcast %add3A_615 : i32 to vector<16xi32>
    %add3A_617 = arith.addi %mul3A_614, %add3A_616 : vector<16xi32>
    %swap3A_618 = arith.constant 416 : index
    %swap3A_619 = tpu.vector_load %arg7[%swap3A_618] {strides = array<i32>} : memref<640xi32, #tpu.memory_space<vmem>>, vector<16xi32>,
    %swap3A_620 = vector.shape_cast %swap3A_619 : vector<16xi32> to vector<16xi32>
    %swap3A_621 = vector.shape_cast %add3A_617 : vector<16xi32> to vector<16xi32>
    tpu.vector_store %arg7[%swap3A_618], %swap3A_621 {strides = array<i32>} : memref<640xi32, #tpu.memory_space<vmem>>, vector<16xi32>,
    %get3A_622 = arith.constant 432 : index
    %get3A_623 = tpu.vector_load %arg6[%get3A_622] {strides = array<i32>} : memref<640xi32, #tpu.memory_space<vmem>>, vector<16xi32>,
    %get3A_624 = vector.shape_cast %get3A_623 : vector<16xi32> to vector<16xi32>
    %mul3A_625 = arith.constant 2 : i32
    %mul3A_626 = vector.broadcast %mul3A_625 : i32 to vector<16xi32>
    %mul3A_627 = arith.muli %get3A_624, %mul3A_626 : vector<16xi32>
    %swap3A_628 = arith.constant 432 : index
    %swap3A_629 = tpu.vector_load %arg6[%swap3A_628] {strides = array<i32>} : memref<640xi32, #tpu.memory_space<vmem>>, vector<16xi32>,
    %swap3A_630 = vector.shape_cast %swap3A_629 : vector<16xi32> to vector<16xi32>
    %swap3A_631 = vector.shape_cast %mul3A_627 : vector<16xi32> to vector<16xi32>
    tpu.vector_store %arg6[%swap3A_628], %swap3A_631 {strides = array<i32>} : memref<640xi32, #tpu.memory_space<vmem>>, vector<16xi32>,
    %get3A_632 = arith.constant 432 : index
    %get3A_633 = tpu.vector_load %arg7[%get3A_632] {strides = array<i32>} : memref<640xi32, #tpu.memory_space<vmem>>, vector<16xi32>,
    %get3A_634 = vector.shape_cast %get3A_633 : vector<16xi32> to vector<16xi32>
    %mul3A_635 = arith.constant 2 : i32
    %mul3A_636 = vector.broadcast %mul3A_635 : i32 to vector<16xi32>
    %mul3A_637 = arith.muli %get3A_634, %mul3A_636 : vector<16xi32>
    %add3A_638 = arith.constant 1 : i32
    %add3A_639 = vector.broadcast %add3A_638 : i32 to vector<16xi32>
    %add3A_640 = arith.addi %mul3A_637, %add3A_639 : vector<16xi32>
    %swap3A_641 = arith.constant 432 : index
    %swap3A_642 = tpu.vector_load %arg7[%swap3A_641] {strides = array<i32>} : memref<640xi32, #tpu.memory_space<vmem>>, vector<16xi32>,
    %swap3A_643 = vector.shape_cast %swap3A_642 : vector<16xi32> to vector<16xi32>
    %swap3A_644 = vector.shape_cast %add3A_640 : vector<16xi32> to vector<16xi32>
    tpu.vector_store %arg7[%swap3A_641], %swap3A_644 {strides = array<i32>} : memref<640xi32, #tpu.memory_space<vmem>>, vector<16xi32>,
    %get3A_645 = arith.constant 448 : index
    %get3A_646 = tpu.vector_load %arg6[%get3A_645] {strides = array<i32>} : memref<640xi32, #tpu.memory_space<vmem>>, vector<16xi32>,
    %get3A_647 = vector.shape_cast %get3A_646 : vector<16xi32> to vector<16xi32>
    %mul3A_648 = arith.constant 2 : i32
    %mul3A_649 = vector.broadcast %mul3A_648 : i32 to vector<16xi32>
    %mul3A_650 = arith.muli %get3A_647, %mul3A_649 : vector<16xi32>
    %swap3A_651 = arith.constant 448 : index
    %swap3A_652 = tpu.vector_load %arg6[%swap3A_651] {strides = array<i32>} : memref<640xi32, #tpu.memory_space<vmem>>, vector<16xi32>,
    %swap3A_653 = vector.shape_cast %swap3A_652 : vector<16xi32> to vector<16xi32>
    %swap3A_654 = vector.shape_cast %mul3A_650 : vector<16xi32> to vector<16xi32>
    tpu.vector_store %arg6[%swap3A_651], %swap3A_654 {strides = array<i32>} : memref<640xi32, #tpu.memory_space<vmem>>, vector<16xi32>,
    %get3A_655 = arith.constant 448 : index
    %get3A_656 = tpu.vector_load %arg7[%get3A_655] {strides = array<i32>} : memref<640xi32, #tpu.memory_space<vmem>>, vector<16xi32>,
    %get3A_657 = vector.shape_cast %get3A_656 : vector<16xi32> to vector<16xi32>
    %mul3A_658 = arith.constant 2 : i32
    %mul3A_659 = vector.broadcast %mul3A_658 : i32 to vector<16xi32>
    %mul3A_660 = arith.muli %get3A_657, %mul3A_659 : vector<16xi32>
    %add3A_661 = arith.constant 1 : i32
    %add3A_662 = vector.broadcast %add3A_661 : i32 to vector<16xi32>
    %add3A_663 = arith.addi %mul3A_660, %add3A_662 : vector<16xi32>
    %swap3A_664 = arith.constant 448 : index
    %swap3A_665 = tpu.vector_load %arg7[%swap3A_664] {strides = array<i32>} : memref<640xi32, #tpu.memory_space<vmem>>, vector<16xi32>,
    %swap3A_666 = vector.shape_cast %swap3A_665 : vector<16xi32> to vector<16xi32>
    %swap3A_667 = vector.shape_cast %add3A_663 : vector<16xi32> to vector<16xi32>
    tpu.vector_store %arg7[%swap3A_664], %swap3A_667 {strides = array<i32>} : memref<640xi32, #tpu.memory_space<vmem>>, vector<16xi32>,
    %get3A_668 = arith.constant 464 : index
    %get3A_669 = tpu.vector_load %arg6[%get3A_668] {strides = array<i32>} : memref<640xi32, #tpu.memory_space<vmem>>, vector<16xi32>,
    %get3A_670 = vector.shape_cast %get3A_669 : vector<16xi32> to vector<16xi32>
    %mul3A_671 = arith.constant 2 : i32
    %mul3A_672 = vector.broadcast %mul3A_671 : i32 to vector<16xi32>
    %mul3A_673 = arith.muli %get3A_670, %mul3A_672 : vector<16xi32>
    %swap3A_674 = arith.constant 464 : index
    %swap3A_675 = tpu.vector_load %arg6[%swap3A_674] {strides = array<i32>} : memref<640xi32, #tpu.memory_space<vmem>>, vector<16xi32>,
    %swap3A_676 = vector.shape_cast %swap3A_675 : vector<16xi32> to vector<16xi32>
    %swap3A_677 = vector.shape_cast %mul3A_673 : vector<16xi32> to vector<16xi32>
    tpu.vector_store %arg6[%swap3A_674], %swap3A_677 {strides = array<i32>} : memref<640xi32, #tpu.memory_space<vmem>>, vector<16xi32>,
    %get3A_678 = arith.constant 464 : index
    %get3A_679 = tpu.vector_load %arg7[%get3A_678] {strides = array<i32>} : memref<640xi32, #tpu.memory_space<vmem>>, vector<16xi32>,
    %get3A_680 = vector.shape_cast %get3A_679 : vector<16xi32> to vector<16xi32>
    %mul3A_681 = arith.constant 2 : i32
    %mul3A_682 = vector.broadcast %mul3A_681 : i32 to vector<16xi32>
    %mul3A_683 = arith.muli %get3A_680, %mul3A_682 : vector<16xi32>
    %add3A_684 = arith.constant 1 : i32
    %add3A_685 = vector.broadcast %add3A_684 : i32 to vector<16xi32>
    %add3A_686 = arith.addi %mul3A_683, %add3A_685 : vector<16xi32>
    %swap3A_687 = arith.constant 464 : index
    %swap3A_688 = tpu.vector_load %arg7[%swap3A_687] {strides = array<i32>} : memref<640xi32, #tpu.memory_space<vmem>>, vector<16xi32>,
    %swap3A_689 = vector.shape_cast %swap3A_688 : vector<16xi32> to vector<16xi32>
    %swap3A_690 = vector.shape_cast %add3A_686 : vector<16xi32> to vector<16xi32>
    tpu.vector_store %arg7[%swap3A_687], %swap3A_690 {strides = array<i32>} : memref<640xi32, #tpu.memory_space<vmem>>, vector<16xi32>,
    %get3A_691 = arith.constant 480 : index
    %get3A_692 = tpu.vector_load %arg6[%get3A_691] {strides = array<i32>} : memref<640xi32, #tpu.memory_space<vmem>>, vector<16xi32>,
    %get3A_693 = vector.shape_cast %get3A_692 : vector<16xi32> to vector<16xi32>
    %mul3A_694 = arith.constant 2 : i32
    %mul3A_695 = vector.broadcast %mul3A_694 : i32 to vector<16xi32>
    %mul3A_696 = arith.muli %get3A_693, %mul3A_695 : vector<16xi32>
    %swap3A_697 = arith.constant 480 : index
    %swap3A_698 = tpu.vector_load %arg6[%swap3A_697] {strides = array<i32>} : memref<640xi32, #tpu.memory_space<vmem>>, vector<16xi32>,
    %swap3A_699 = vector.shape_cast %swap3A_698 : vector<16xi32> to vector<16xi32>
    %swap3A_700 = vector.shape_cast %mul3A_696 : vector<16xi32> to vector<16xi32>
    tpu.vector_store %arg6[%swap3A_697], %swap3A_700 {strides = array<i32>} : memref<640xi32, #tpu.memory_space<vmem>>, vector<16xi32>,
    %get3A_701 = arith.constant 480 : index
    %get3A_702 = tpu.vector_load %arg7[%get3A_701] {strides = array<i32>} : memref<640xi32, #tpu.memory_space<vmem>>, vector<16xi32>,
    %get3A_703 = vector.shape_cast %get3A_702 : vector<16xi32> to vector<16xi32>
    %mul3A_704 = arith.constant 2 : i32
    %mul3A_705 = vector.broadcast %mul3A_704 : i32 to vector<16xi32>
    %mul3A_706 = arith.muli %get3A_703, %mul3A_705 : vector<16xi32>
    %add3A_707 = arith.constant 1 : i32
    %add3A_708 = vector.broadcast %add3A_707 : i32 to vector<16xi32>
    %add3A_709 = arith.addi %mul3A_706, %add3A_708 : vector<16xi32>
    %swap3A_710 = arith.constant 480 : index
    %swap3A_711 = tpu.vector_load %arg7[%swap3A_710] {strides = array<i32>} : memref<640xi32, #tpu.memory_space<vmem>>, vector<16xi32>,
    %swap3A_712 = vector.shape_cast %swap3A_711 : vector<16xi32> to vector<16xi32>
    %swap3A_713 = vector.shape_cast %add3A_709 : vector<16xi32> to vector<16xi32>
    tpu.vector_store %arg7[%swap3A_710], %swap3A_713 {strides = array<i32>} : memref<640xi32, #tpu.memory_space<vmem>>, vector<16xi32>,
    %get3A_714 = arith.constant 496 : index
    %get3A_715 = tpu.vector_load %arg6[%get3A_714] {strides = array<i32>} : memref<640xi32, #tpu.memory_space<vmem>>, vector<16xi32>,
    %get3A_716 = vector.shape_cast %get3A_715 : vector<16xi32> to vector<16xi32>
    %mul3A_717 = arith.constant 2 : i32
    %mul3A_718 = vector.broadcast %mul3A_717 : i32 to vector<16xi32>
    %mul3A_719 = arith.muli %get3A_716, %mul3A_718 : vector<16xi32>
    %swap3A_720 = arith.constant 496 : index
    %swap3A_721 = tpu.vector_load %arg6[%swap3A_720] {strides = array<i32>} : memref<640xi32, #tpu.memory_space<vmem>>, vector<16xi32>,
    %swap3A_722 = vector.shape_cast %swap3A_721 : vector<16xi32> to vector<16xi32>
    %swap3A_723 = vector.shape_cast %mul3A_719 : vector<16xi32> to vector<16xi32>
    tpu.vector_store %arg6[%swap3A_720], %swap3A_723 {strides = array<i32>} : memref<640xi32, #tpu.memory_space<vmem>>, vector<16xi32>,
    %get3A_724 = arith.constant 496 : index
    %get3A_725 = tpu.vector_load %arg7[%get3A_724] {strides = array<i32>} : memref<640xi32, #tpu.memory_space<vmem>>, vector<16xi32>,
    %get3A_726 = vector.shape_cast %get3A_725 : vector<16xi32> to vector<16xi32>
    %mul3A_727 = arith.constant 2 : i32
    %mul3A_728 = vector.broadcast %mul3A_727 : i32 to vector<16xi32>
    %mul3A_729 = arith.muli %get3A_726, %mul3A_728 : vector<16xi32>
    %add3A_730 = arith.constant 1 : i32
    %add3A_731 = vector.broadcast %add3A_730 : i32 to vector<16xi32>
    %add3A_732 = arith.addi %mul3A_729, %add3A_731 : vector<16xi32>
    %swap3A_733 = arith.constant 496 : index
    %swap3A_734 = tpu.vector_load %arg7[%swap3A_733] {strides = array<i32>} : memref<640xi32, #tpu.memory_space<vmem>>, vector<16xi32>,
    %swap3A_735 = vector.shape_cast %swap3A_734 : vector<16xi32> to vector<16xi32>
    %swap3A_736 = vector.shape_cast %add3A_732 : vector<16xi32> to vector<16xi32>
    tpu.vector_store %arg7[%swap3A_733], %swap3A_736 {strides = array<i32>} : memref<640xi32, #tpu.memory_space<vmem>>, vector<16xi32>,
    %get3A_737 = arith.constant 512 : index
    %get3A_738 = tpu.vector_load %arg6[%get3A_737] {strides = array<i32>} : memref<640xi32, #tpu.memory_space<vmem>>, vector<16xi32>,
    %get3A_739 = vector.shape_cast %get3A_738 : vector<16xi32> to vector<16xi32>
    %mul3A_740 = arith.constant 2 : i32
    %mul3A_741 = vector.broadcast %mul3A_740 : i32 to vector<16xi32>
    %mul3A_742 = arith.muli %get3A_739, %mul3A_741 : vector<16xi32>
    %swap3A_743 = arith.constant 512 : index
    %swap3A_744 = tpu.vector_load %arg6[%swap3A_743] {strides = array<i32>} : memref<640xi32, #tpu.memory_space<vmem>>, vector<16xi32>,
    %swap3A_745 = vector.shape_cast %swap3A_744 : vector<16xi32> to vector<16xi32>
    %swap3A_746 = vector.shape_cast %mul3A_742 : vector<16xi32> to vector<16xi32>
    tpu.vector_store %arg6[%swap3A_743], %swap3A_746 {strides = array<i32>} : memref<640xi32, #tpu.memory_space<vmem>>, vector<16xi32>,
    %get3A_747 = arith.constant 512 : index
    %get3A_748 = tpu.vector_load %arg7[%get3A_747] {strides = array<i32>} : memref<640xi32, #tpu.memory_space<vmem>>, vector<16xi32>,
    %get3A_749 = vector.shape_cast %get3A_748 : vector<16xi32> to vector<16xi32>
    %mul3A_750 = arith.constant 2 : i32
    %mul3A_751 = vector.broadcast %mul3A_750 : i32 to vector<16xi32>
    %mul3A_752 = arith.muli %get3A_749, %mul3A_751 : vector<16xi32>
    %add3A_753 = arith.constant 1 : i32
    %add3A_754 = vector.broadcast %add3A_753 : i32 to vector<16xi32>
    %add3A_755 = arith.addi %mul3A_752, %add3A_754 : vector<16xi32>
    %swap3A_756 = arith.constant 512 : index
    %swap3A_757 = tpu.vector_load %arg7[%swap3A_756] {strides = array<i32>} : memref<640xi32, #tpu.memory_space<vmem>>, vector<16xi32>,
    %swap3A_758 = vector.shape_cast %swap3A_757 : vector<16xi32> to vector<16xi32>
    %swap3A_759 = vector.shape_cast %add3A_755 : vector<16xi32> to vector<16xi32>
    tpu.vector_store %arg7[%swap3A_756], %swap3A_759 {strides = array<i32>} : memref<640xi32, #tpu.memory_space<vmem>>, vector<16xi32>,
    %get3A_760 = arith.constant 528 : index
    %get3A_761 = tpu.vector_load %arg6[%get3A_760] {strides = array<i32>} : memref<640xi32, #tpu.memory_space<vmem>>, vector<16xi32>,
    %get3A_762 = vector.shape_cast %get3A_761 : vector<16xi32> to vector<16xi32>
    %mul3A_763 = arith.constant 2 : i32
    %mul3A_764 = vector.broadcast %mul3A_763 : i32 to vector<16xi32>
    %mul3A_765 = arith.muli %get3A_762, %mul3A_764 : vector<16xi32>
    %swap3A_766 = arith.constant 528 : index
    %swap3A_767 = tpu.vector_load %arg6[%swap3A_766] {strides = array<i32>} : memref<640xi32, #tpu.memory_space<vmem>>, vector<16xi32>,
    %swap3A_768 = vector.shape_cast %swap3A_767 : vector<16xi32> to vector<16xi32>
    %swap3A_769 = vector.shape_cast %mul3A_765 : vector<16xi32> to vector<16xi32>
    tpu.vector_store %arg6[%swap3A_766], %swap3A_769 {strides = array<i32>} : memref<640xi32, #tpu.memory_space<vmem>>, vector<16xi32>,
    %get3A_770 = arith.constant 528 : index
    %get3A_771 = tpu.vector_load %arg7[%get3A_770] {strides = array<i32>} : memref<640xi32, #tpu.memory_space<vmem>>, vector<16xi32>,
    %get3A_772 = vector.shape_cast %get3A_771 : vector<16xi32> to vector<16xi32>
    %mul3A_773 = arith.constant 2 : i32
    %mul3A_774 = vector.broadcast %mul3A_773 : i32 to vector<16xi32>
    %mul3A_775 = arith.muli %get3A_772, %mul3A_774 : vector<16xi32>
    %add3A_776 = arith.constant 1 : i32
    %add3A_777 = vector.broadcast %add3A_776 : i32 to vector<16xi32>
    %add3A_778 = arith.addi %mul3A_775, %add3A_777 : vector<16xi32>
    %swap3A_779 = arith.constant 528 : index
    %swap3A_780 = tpu.vector_load %arg7[%swap3A_779] {strides = array<i32>} : memref<640xi32, #tpu.memory_space<vmem>>, vector<16xi32>,
    %swap3A_781 = vector.shape_cast %swap3A_780 : vector<16xi32> to vector<16xi32>
    %swap3A_782 = vector.shape_cast %add3A_778 : vector<16xi32> to vector<16xi32>
    tpu.vector_store %arg7[%swap3A_779], %swap3A_782 {strides = array<i32>} : memref<640xi32, #tpu.memory_space<vmem>>, vector<16xi32>,
    %get3A_783 = arith.constant 544 : index
    %get3A_784 = tpu.vector_load %arg6[%get3A_783] {strides = array<i32>} : memref<640xi32, #tpu.memory_space<vmem>>, vector<16xi32>,
    %get3A_785 = vector.shape_cast %get3A_784 : vector<16xi32> to vector<16xi32>
    %mul3A_786 = arith.constant 2 : i32
    %mul3A_787 = vector.broadcast %mul3A_786 : i32 to vector<16xi32>
    %mul3A_788 = arith.muli %get3A_785, %mul3A_787 : vector<16xi32>
    %swap3A_789 = arith.constant 544 : index
    %swap3A_790 = tpu.vector_load %arg6[%swap3A_789] {strides = array<i32>} : memref<640xi32, #tpu.memory_space<vmem>>, vector<16xi32>,
    %swap3A_791 = vector.shape_cast %swap3A_790 : vector<16xi32> to vector<16xi32>
    %swap3A_792 = vector.shape_cast %mul3A_788 : vector<16xi32> to vector<16xi32>
    tpu.vector_store %arg6[%swap3A_789], %swap3A_792 {strides = array<i32>} : memref<640xi32, #tpu.memory_space<vmem>>, vector<16xi32>,
    %get3A_793 = arith.constant 544 : index
    %get3A_794 = tpu.vector_load %arg7[%get3A_793] {strides = array<i32>} : memref<640xi32, #tpu.memory_space<vmem>>, vector<16xi32>,
    %get3A_795 = vector.shape_cast %get3A_794 : vector<16xi32> to vector<16xi32>
    %mul3A_796 = arith.constant 2 : i32
    %mul3A_797 = vector.broadcast %mul3A_796 : i32 to vector<16xi32>
    %mul3A_798 = arith.muli %get3A_795, %mul3A_797 : vector<16xi32>
    %add3A_799 = arith.constant 1 : i32
    %add3A_800 = vector.broadcast %add3A_799 : i32 to vector<16xi32>
    %add3A_801 = arith.addi %mul3A_798, %add3A_800 : vector<16xi32>
    %swap3A_802 = arith.constant 544 : index
    %swap3A_803 = tpu.vector_load %arg7[%swap3A_802] {strides = array<i32>} : memref<640xi32, #tpu.memory_space<vmem>>, vector<16xi32>,
    %swap3A_804 = vector.shape_cast %swap3A_803 : vector<16xi32> to vector<16xi32>
    %swap3A_805 = vector.shape_cast %add3A_801 : vector<16xi32> to vector<16xi32>
    tpu.vector_store %arg7[%swap3A_802], %swap3A_805 {strides = array<i32>} : memref<640xi32, #tpu.memory_space<vmem>>, vector<16xi32>,
    %get3A_806 = arith.constant 560 : index
    %get3A_807 = tpu.vector_load %arg6[%get3A_806] {strides = array<i32>} : memref<640xi32, #tpu.memory_space<vmem>>, vector<16xi32>,
    %get3A_808 = vector.shape_cast %get3A_807 : vector<16xi32> to vector<16xi32>
    %mul3A_809 = arith.constant 2 : i32
    %mul3A_810 = vector.broadcast %mul3A_809 : i32 to vector<16xi32>
    %mul3A_811 = arith.muli %get3A_808, %mul3A_810 : vector<16xi32>
    %swap3A_812 = arith.constant 560 : index
    %swap3A_813 = tpu.vector_load %arg6[%swap3A_812] {strides = array<i32>} : memref<640xi32, #tpu.memory_space<vmem>>, vector<16xi32>,
    %swap3A_814 = vector.shape_cast %swap3A_813 : vector<16xi32> to vector<16xi32>
    %swap3A_815 = vector.shape_cast %mul3A_811 : vector<16xi32> to vector<16xi32>
    tpu.vector_store %arg6[%swap3A_812], %swap3A_815 {strides = array<i32>} : memref<640xi32, #tpu.memory_space<vmem>>, vector<16xi32>,
    %get3A_816 = arith.constant 560 : index
    %get3A_817 = tpu.vector_load %arg7[%get3A_816] {strides = array<i32>} : memref<640xi32, #tpu.memory_space<vmem>>, vector<16xi32>,
    %get3A_818 = vector.shape_cast %get3A_817 : vector<16xi32> to vector<16xi32>
    %mul3A_819 = arith.constant 2 : i32
    %mul3A_820 = vector.broadcast %mul3A_819 : i32 to vector<16xi32>
    %mul3A_821 = arith.muli %get3A_818, %mul3A_820 : vector<16xi32>
    %add3A_822 = arith.constant 1 : i32
    %add3A_823 = vector.broadcast %add3A_822 : i32 to vector<16xi32>
    %add3A_824 = arith.addi %mul3A_821, %add3A_823 : vector<16xi32>
    %swap3A_825 = arith.constant 560 : index
    %swap3A_826 = tpu.vector_load %arg7[%swap3A_825] {strides = array<i32>} : memref<640xi32, #tpu.memory_space<vmem>>, vector<16xi32>,
    %swap3A_827 = vector.shape_cast %swap3A_826 : vector<16xi32> to vector<16xi32>
    %swap3A_828 = vector.shape_cast %add3A_824 : vector<16xi32> to vector<16xi32>
    tpu.vector_store %arg7[%swap3A_825], %swap3A_828 {strides = array<i32>} : memref<640xi32, #tpu.memory_space<vmem>>, vector<16xi32>,
    %get3A_829 = arith.constant 576 : index
    %get3A_830 = tpu.vector_load %arg6[%get3A_829] {strides = array<i32>} : memref<640xi32, #tpu.memory_space<vmem>>, vector<16xi32>,
    %get3A_831 = vector.shape_cast %get3A_830 : vector<16xi32> to vector<16xi32>
    %mul3A_832 = arith.constant 2 : i32
    %mul3A_833 = vector.broadcast %mul3A_832 : i32 to vector<16xi32>
    %mul3A_834 = arith.muli %get3A_831, %mul3A_833 : vector<16xi32>
    %swap3A_835 = arith.constant 576 : index
    %swap3A_836 = tpu.vector_load %arg6[%swap3A_835] {strides = array<i32>} : memref<640xi32, #tpu.memory_space<vmem>>, vector<16xi32>,
    %swap3A_837 = vector.shape_cast %swap3A_836 : vector<16xi32> to vector<16xi32>
    %swap3A_838 = vector.shape_cast %mul3A_834 : vector<16xi32> to vector<16xi32>
    tpu.vector_store %arg6[%swap3A_835], %swap3A_838 {strides = array<i32>} : memref<640xi32, #tpu.memory_space<vmem>>, vector<16xi32>,
    %get3A_839 = arith.constant 576 : index
    %get3A_840 = tpu.vector_load %arg7[%get3A_839] {strides = array<i32>} : memref<640xi32, #tpu.memory_space<vmem>>, vector<16xi32>,
    %get3A_841 = vector.shape_cast %get3A_840 : vector<16xi32> to vector<16xi32>
    %mul3A_842 = arith.constant 2 : i32
    %mul3A_843 = vector.broadcast %mul3A_842 : i32 to vector<16xi32>
    %mul3A_844 = arith.muli %get3A_841, %mul3A_843 : vector<16xi32>
    %add3A_845 = arith.constant 1 : i32
    %add3A_846 = vector.broadcast %add3A_845 : i32 to vector<16xi32>
    %add3A_847 = arith.addi %mul3A_844, %add3A_846 : vector<16xi32>
    %swap3A_848 = arith.constant 576 : index
    %swap3A_849 = tpu.vector_load %arg7[%swap3A_848] {strides = array<i32>} : memref<640xi32, #tpu.memory_space<vmem>>, vector<16xi32>,
    %swap3A_850 = vector.shape_cast %swap3A_849 : vector<16xi32> to vector<16xi32>
    %swap3A_851 = vector.shape_cast %add3A_847 : vector<16xi32> to vector<16xi32>
    tpu.vector_store %arg7[%swap3A_848], %swap3A_851 {strides = array<i32>} : memref<640xi32, #tpu.memory_space<vmem>>, vector<16xi32>,
    %get3A_852 = arith.constant 592 : index
    %get3A_853 = tpu.vector_load %arg6[%get3A_852] {strides = array<i32>} : memref<640xi32, #tpu.memory_space<vmem>>, vector<16xi32>,
    %get3A_854 = vector.shape_cast %get3A_853 : vector<16xi32> to vector<16xi32>
    %mul3A_855 = arith.constant 2 : i32
    %mul3A_856 = vector.broadcast %mul3A_855 : i32 to vector<16xi32>
    %mul3A_857 = arith.muli %get3A_854, %mul3A_856 : vector<16xi32>
    %swap3A_858 = arith.constant 592 : index
    %swap3A_859 = tpu.vector_load %arg6[%swap3A_858] {strides = array<i32>} : memref<640xi32, #tpu.memory_space<vmem>>, vector<16xi32>,
    %swap3A_860 = vector.shape_cast %swap3A_859 : vector<16xi32> to vector<16xi32>
    %swap3A_861 = vector.shape_cast %mul3A_857 : vector<16xi32> to vector<16xi32>
    tpu.vector_store %arg6[%swap3A_858], %swap3A_861 {strides = array<i32>} : memref<640xi32, #tpu.memory_space<vmem>>, vector<16xi32>,
    %get3A_862 = arith.constant 592 : index
    %get3A_863 = tpu.vector_load %arg7[%get3A_862] {strides = array<i32>} : memref<640xi32, #tpu.memory_space<vmem>>, vector<16xi32>,
    %get3A_864 = vector.shape_cast %get3A_863 : vector<16xi32> to vector<16xi32>
    %mul3A_865 = arith.constant 2 : i32
    %mul3A_866 = vector.broadcast %mul3A_865 : i32 to vector<16xi32>
    %mul3A_867 = arith.muli %get3A_864, %mul3A_866 : vector<16xi32>
    %add3A_868 = arith.constant 1 : i32
    %add3A_869 = vector.broadcast %add3A_868 : i32 to vector<16xi32>
    %add3A_870 = arith.addi %mul3A_867, %add3A_869 : vector<16xi32>
    %swap3A_871 = arith.constant 592 : index
    %swap3A_872 = tpu.vector_load %arg7[%swap3A_871] {strides = array<i32>} : memref<640xi32, #tpu.memory_space<vmem>>, vector<16xi32>,
    %swap3A_873 = vector.shape_cast %swap3A_872 : vector<16xi32> to vector<16xi32>
    %swap3A_874 = vector.shape_cast %add3A_870 : vector<16xi32> to vector<16xi32>
    tpu.vector_store %arg7[%swap3A_871], %swap3A_874 {strides = array<i32>} : memref<640xi32, #tpu.memory_space<vmem>>, vector<16xi32>,
    %get3A_875 = arith.constant 608 : index
    %get3A_876 = tpu.vector_load %arg6[%get3A_875] {strides = array<i32>} : memref<640xi32, #tpu.memory_space<vmem>>, vector<16xi32>,
    %get3A_877 = vector.shape_cast %get3A_876 : vector<16xi32> to vector<16xi32>
    %mul3A_878 = arith.constant 2 : i32
    %mul3A_879 = vector.broadcast %mul3A_878 : i32 to vector<16xi32>
    %mul3A_880 = arith.muli %get3A_877, %mul3A_879 : vector<16xi32>
    %swap3A_881 = arith.constant 608 : index
    %swap3A_882 = tpu.vector_load %arg6[%swap3A_881] {strides = array<i32>} : memref<640xi32, #tpu.memory_space<vmem>>, vector<16xi32>,
    %swap3A_883 = vector.shape_cast %swap3A_882 : vector<16xi32> to vector<16xi32>
    %swap3A_884 = vector.shape_cast %mul3A_880 : vector<16xi32> to vector<16xi32>
    tpu.vector_store %arg6[%swap3A_881], %swap3A_884 {strides = array<i32>} : memref<640xi32, #tpu.memory_space<vmem>>, vector<16xi32>,
    %get3A_885 = arith.constant 608 : index
    %get3A_886 = tpu.vector_load %arg7[%get3A_885] {strides = array<i32>} : memref<640xi32, #tpu.memory_space<vmem>>, vector<16xi32>,
    %get3A_887 = vector.shape_cast %get3A_886 : vector<16xi32> to vector<16xi32>
    %mul3A_888 = arith.constant 2 : i32
    %mul3A_889 = vector.broadcast %mul3A_888 : i32 to vector<16xi32>
    %mul3A_890 = arith.muli %get3A_887, %mul3A_889 : vector<16xi32>
    %add3A_891 = arith.constant 1 : i32
    %add3A_892 = vector.broadcast %add3A_891 : i32 to vector<16xi32>
    %add3A_893 = arith.addi %mul3A_890, %add3A_892 : vector<16xi32>
    %swap3A_894 = arith.constant 608 : index
    %swap3A_895 = tpu.vector_load %arg7[%swap3A_894] {strides = array<i32>} : memref<640xi32, #tpu.memory_space<vmem>>, vector<16xi32>,
    %swap3A_896 = vector.shape_cast %swap3A_895 : vector<16xi32> to vector<16xi32>
    %swap3A_897 = vector.shape_cast %add3A_893 : vector<16xi32> to vector<16xi32>
    tpu.vector_store %arg7[%swap3A_894], %swap3A_897 {strides = array<i32>} : memref<640xi32, #tpu.memory_space<vmem>>, vector<16xi32>,
    %get3A_898 = arith.constant 624 : index
    %get3A_899 = tpu.vector_load %arg6[%get3A_898] {strides = array<i32>} : memref<640xi32, #tpu.memory_space<vmem>>, vector<16xi32>,
    %get3A_900 = vector.shape_cast %get3A_899 : vector<16xi32> to vector<16xi32>
    %mul3A_901 = arith.constant 2 : i32
    %mul3A_902 = vector.broadcast %mul3A_901 : i32 to vector<16xi32>
    %mul3A_903 = arith.muli %get3A_900, %mul3A_902 : vector<16xi32>
    %swap3A_904 = arith.constant 624 : index
    %swap3A_905 = tpu.vector_load %arg6[%swap3A_904] {strides = array<i32>} : memref<640xi32, #tpu.memory_space<vmem>>, vector<16xi32>,
    %swap3A_906 = vector.shape_cast %swap3A_905 : vector<16xi32> to vector<16xi32>
    %swap3A_907 = vector.shape_cast %mul3A_903 : vector<16xi32> to vector<16xi32>
    tpu.vector_store %arg6[%swap3A_904], %swap3A_907 {strides = array<i32>} : memref<640xi32, #tpu.memory_space<vmem>>, vector<16xi32>,
    %get3A_908 = arith.constant 624 : index
    %get3A_909 = tpu.vector_load %arg7[%get3A_908] {strides = array<i32>} : memref<640xi32, #tpu.memory_space<vmem>>, vector<16xi32>,
    %get3A_910 = vector.shape_cast %get3A_909 : vector<16xi32> to vector<16xi32>
    %mul3A_911 = arith.constant 2 : i32
    %mul3A_912 = vector.broadcast %mul3A_911 : i32 to vector<16xi32>
    %mul3A_913 = arith.muli %get3A_910, %mul3A_912 : vector<16xi32>
    %add3A_914 = arith.constant 1 : i32
    %add3A_915 = vector.broadcast %add3A_914 : i32 to vector<16xi32>
    %add3A_916 = arith.addi %mul3A_913, %add3A_915 : vector<16xi32>
    %swap3A_917 = arith.constant 624 : index
    %swap3A_918 = tpu.vector_load %arg7[%swap3A_917] {strides = array<i32>} : memref<640xi32, #tpu.memory_space<vmem>>, vector<16xi32>,
    %swap3A_919 = vector.shape_cast %swap3A_918 : vector<16xi32> to vector<16xi32>
    %swap3A_920 = vector.shape_cast %add3A_916 : vector<16xi32> to vector<16xi32>
    tpu.vector_store %arg7[%swap3A_917], %swap3A_920 {strides = array<i32>} : memref<640xi32, #tpu.memory_space<vmem>>, vector<16xi32>,
    %dma_start3A = arith.constant 0 : i32
    %dma_start3A_921 = arith.constant 0 : i32
    %dma_start3A_922 = tpu.memref_slice %arg4[%dma_start3A, %dma_start3A_921] : memref<200000x64xf32, #tpu.memory_space<hbm>> -> memref<200000x64xf32, #tpu.memory_space<hbm>>
    tpu.enqueue_indirect_dma source(%dma_start3A_922 : memref<200000x64xf32, #tpu.memory_space<hbm>>) target(%arg8 : memref<640x64xf32, #tpu.memory_space<vmem>>) offsets(%arg6 : memref<640xi32, #tpu.memory_space<vmem>>) semaphore(%arg10 : memref<!tpu.dma_semaphore, #tpu.memory_space<semaphore_mem>>)
    %dma_start3A_923 = arith.constant 0 : i32
    %dma_start3A_924 = arith.constant 0 : i32
    %dma_start3A_925 = tpu.memref_slice %arg4[%dma_start3A_923, %dma_start3A_924] : memref<200000x64xf32, #tpu.memory_space<hbm>> -> memref<200000x64xf32, #tpu.memory_space<hbm>>
    tpu.enqueue_indirect_dma source(%dma_start3A_925 : memref<200000x64xf32, #tpu.memory_space<hbm>>) target(%arg9 : memref<640x64xf32, #tpu.memory_space<vmem>>) offsets(%arg7 : memref<640xi32, #tpu.memory_space<vmem>>) semaphore(%arg11 : memref<!tpu.dma_semaphore, #tpu.memory_space<semaphore_mem>>)
    %dma_wait3A = arith.constant 0 : i32
    %dma_wait3A_926 = arith.constant 0 : i32
    %dma_wait3A_927 = tpu.memref_slice %arg4[%dma_wait3A, %dma_wait3A_926] : memref<200000x64xf32, #tpu.memory_space<hbm>> -> memref<200000x64xf32, #tpu.memory_space<hbm>>
    tpu.wait_indirect_dma semaphore(%arg10 : memref<!tpu.dma_semaphore, #tpu.memory_space<semaphore_mem>>) src(%dma_wait3A_927 : memref<200000x64xf32, #tpu.memory_space<hbm>>) dst(%arg8 : memref<640x64xf32, #tpu.memory_space<vmem>>)
    %dma_wait3A_928 = arith.constant 0 : i32
    %dma_wait3A_929 = arith.constant 0 : i32
    %dma_wait3A_930 = tpu.memref_slice %arg4[%dma_wait3A_928, %dma_wait3A_929] : memref<200000x64xf32, #tpu.memory_space<hbm>> -> memref<200000x64xf32, #tpu.memory_space<hbm>>
    tpu.wait_indirect_dma semaphore(%arg11 : memref<!tpu.dma_semaphore, #tpu.memory_space<semaphore_mem>>) src(%dma_wait3A_930 : memref<200000x64xf32, #tpu.memory_space<hbm>>) dst(%arg9 : memref<640x64xf32, #tpu.memory_space<vmem>>)
    "tpu.region"() ({
      %run_scoped3A = tpu.sem_alloc : memref<!tpu.dma_semaphore, #tpu.memory_space<semaphore_mem>>
      %dma_start3A_931 = arith.constant 0 : i32
      %dma_start3A_932 = tpu.memref_slice %arg5[%mul3A_2, %dma_start3A_931] : memref<20480x128xf32, #tpu.memory_space<hbm>> -> memref<640x64xf32, #tpu.memory_space<hbm>>
      %dma_start3A_933 = arith.constant 0 : i32
      %dma_start3A_934 = tpu.memref_slice %arg5[%mul3A_2, %dma_start3A_933] : memref<20480x128xf32, #tpu.memory_space<hbm>> -> memref<640x64xf32, #tpu.memory_space<hbm>>
      tpu.enqueue_dma source(%arg8 : memref<640x64xf32, #tpu.memory_space<vmem>>) target(%dma_start3A_934 : memref<640x64xf32, #tpu.memory_space<hbm>>) target_semaphore(%run_scoped3A : memref<!tpu.dma_semaphore, #tpu.memory_space<semaphore_mem>>)
      %dma_wait3A_935 = arith.constant 0 : i32
      %dma_wait3A_936 = tpu.memref_slice %arg5[%mul3A_2, %dma_wait3A_935] : memref<20480x128xf32, #tpu.memory_space<hbm>> -> memref<640x64xf32, #tpu.memory_space<hbm>>
      %dma_wait3A_937 = arith.constant 0 : i32
      %dma_wait3A_938 = tpu.memref_slice %arg5[%mul3A_2, %dma_wait3A_937] : memref<20480x128xf32, #tpu.memory_space<hbm>> -> memref<640x64xf32, #tpu.memory_space<hbm>>
      tpu.wait_dma2 semaphore(%run_scoped3A : memref<!tpu.dma_semaphore, #tpu.memory_space<semaphore_mem>>) src(%arg8 : memref<640x64xf32, #tpu.memory_space<vmem>>) dst(%dma_wait3A_938 : memref<640x64xf32, #tpu.memory_space<hbm>>)
      tpu.yield
    }) : () -> ()
    "tpu.region"() ({
      %run_scoped3A = tpu.sem_alloc : memref<!tpu.dma_semaphore, #tpu.memory_space<semaphore_mem>>
      %dma_start3A_931 = arith.constant 64 : i32
      %dma_start3A_932 = tpu.memref_slice %arg5[%mul3A_2, %dma_start3A_931] : memref<20480x128xf32, #tpu.memory_space<hbm>> -> memref<640x64xf32, #tpu.memory_space<hbm>>
      %dma_start3A_933 = arith.constant 64 : i32
      %dma_start3A_934 = tpu.memref_slice %arg5[%mul3A_2, %dma_start3A_933] : memref<20480x128xf32, #tpu.memory_space<hbm>> -> memref<640x64xf32, #tpu.memory_space<hbm>>
      tpu.enqueue_dma source(%arg9 : memref<640x64xf32, #tpu.memory_space<vmem>>) target(%dma_start3A_934 : memref<640x64xf32, #tpu.memory_space<hbm>>) target_semaphore(%run_scoped3A : memref<!tpu.dma_semaphore, #tpu.memory_space<semaphore_mem>>)
      %dma_wait3A_935 = arith.constant 64 : i32
      %dma_wait3A_936 = tpu.memref_slice %arg5[%mul3A_2, %dma_wait3A_935] : memref<20480x128xf32, #tpu.memory_space<hbm>> -> memref<640x64xf32, #tpu.memory_space<hbm>>
      %dma_wait3A_937 = arith.constant 64 : i32
      %dma_wait3A_938 = tpu.memref_slice %arg5[%mul3A_2, %dma_wait3A_937] : memref<20480x128xf32, #tpu.memory_space<hbm>> -> memref<640x64xf32, #tpu.memory_space<hbm>>
      tpu.wait_dma2 semaphore(%run_scoped3A : memref<!tpu.dma_semaphore, #tpu.memory_space<semaphore_mem>>) src(%arg9 : memref<640x64xf32, #tpu.memory_space<vmem>>) dst(%dma_wait3A_938 : memref<640x64xf32, #tpu.memory_space<hbm>>)
      tpu.yield
    }) : () -> ()
    return
  }
}

module attributes {stable_mosaic.version = 14 : i64} {
  func.func @_outer_sum_body(%arg0: i32, %arg1: memref<20x1024x128xf32, #tpu.memory_space<vmem>>, %arg2: memref<1x20x64x1024xf32, #tpu.memory_space<vmem>>, %arg3: memref<20x64x1024xf32, #tpu.memory_space<vmem>>) attributes {dimension_semantics = [#tpu.dimension_semantics<arbitrary>], iteration_bounds = array<i64: 20>, scalar_prefetch = 0 : i64, scratch_operands = 1 : i64, tpu.core_type = #tpu.core_type<tc>, window_params = [{pipeline_mode = #tpu.pipeline_mode<synchronous>, transform_indices = @transform_0, window_bounds = array<i64: 20, 1024, 128>}, {transform_indices = @transform_1, window_bounds = array<i64: 1, 20, 64, 1024>}]} {
    %eq3A = arith.constant 0 : i32
    %eq3A_0 = arith.cmpi eq, %arg0, %eq3A : i32
    %convert_element_type3A = arith.extui %eq3A_0 : i1 to i32
    %cond3A = arith.constant 0 : i32
    %cond3A_1 = arith.cmpi ne, %convert_element_type3A, %cond3A : i32
    scf.if %cond3A_1 {
      %get3A_264 = arith.constant 0 : index
      %get3A_265 = arith.constant 0 : index
      %get3A_266 = arith.constant 0 : index
      %get3A_267 = vector.load %arg1[%get3A_264, %get3A_265, %get3A_266] : memref<20x1024x128xf32, #tpu.memory_space<vmem>>, vector<1x1024x128xf32>
      %get3A_268 = vector.shape_cast %get3A_267 : vector<1x1024x128xf32> to vector<1024x128xf32>
      %slice3A_269 = vector.extract_strided_slice %get3A_268 {offsets = [0, 64], sizes = [1024, 64], strides = [1, 1]} : vector<1024x128xf32> to vector<1024x64xf32>
      %transpose3A_270 = tpu.transpose %slice3A_269, [1, 0] : vector<1024x64xf32> -> vector<64x1024xf32>
      %swap3A_271 = arith.constant 0 : index
      %swap3A_272 = arith.constant 0 : index
      %swap3A_273 = arith.constant 0 : index
      %swap3A_274 = vector.load %arg3[%swap3A_271, %swap3A_272, %swap3A_273] : memref<20x64x1024xf32, #tpu.memory_space<vmem>>, vector<1x64x1024xf32>
      %swap3A_275 = vector.shape_cast %swap3A_274 : vector<1x64x1024xf32> to vector<64x1024xf32>
      %swap3A_276 = vector.shape_cast %transpose3A_270 : vector<64x1024xf32> to vector<1x64x1024xf32>
      tpu.vector_store %arg3[%swap3A_271, %swap3A_272, %swap3A_273], %swap3A_276 {strides = array<i32>} : memref<20x64x1024xf32, #tpu.memory_space<vmem>>, vector<1x64x1024xf32>,
      %get3A_277 = arith.constant 1 : index
      %get3A_278 = arith.constant 0 : index
      %get3A_279 = arith.constant 0 : index
      %get3A_280 = vector.load %arg1[%get3A_277, %get3A_278, %get3A_279] : memref<20x1024x128xf32, #tpu.memory_space<vmem>>, vector<1x1024x128xf32>
      %get3A_281 = vector.shape_cast %get3A_280 : vector<1x1024x128xf32> to vector<1024x128xf32>
      %slice3A_282 = vector.extract_strided_slice %get3A_281 {offsets = [0, 64], sizes = [1024, 64], strides = [1, 1]} : vector<1024x128xf32> to vector<1024x64xf32>
      %transpose3A_283 = tpu.transpose %slice3A_282, [1, 0] : vector<1024x64xf32> -> vector<64x1024xf32>
      %swap3A_284 = arith.constant 1 : index
      %swap3A_285 = arith.constant 0 : index
      %swap3A_286 = arith.constant 0 : index
      %swap3A_287 = vector.load %arg3[%swap3A_284, %swap3A_285, %swap3A_286] : memref<20x64x1024xf32, #tpu.memory_space<vmem>>, vector<1x64x1024xf32>
      %swap3A_288 = vector.shape_cast %swap3A_287 : vector<1x64x1024xf32> to vector<64x1024xf32>
      %swap3A_289 = vector.shape_cast %transpose3A_283 : vector<64x1024xf32> to vector<1x64x1024xf32>
      tpu.vector_store %arg3[%swap3A_284, %swap3A_285, %swap3A_286], %swap3A_289 {strides = array<i32>} : memref<20x64x1024xf32, #tpu.memory_space<vmem>>, vector<1x64x1024xf32>,
      %get3A_290 = arith.constant 2 : index
      %get3A_291 = arith.constant 0 : index
      %get3A_292 = arith.constant 0 : index
      %get3A_293 = vector.load %arg1[%get3A_290, %get3A_291, %get3A_292] : memref<20x1024x128xf32, #tpu.memory_space<vmem>>, vector<1x1024x128xf32>
      %get3A_294 = vector.shape_cast %get3A_293 : vector<1x1024x128xf32> to vector<1024x128xf32>
      %slice3A_295 = vector.extract_strided_slice %get3A_294 {offsets = [0, 64], sizes = [1024, 64], strides = [1, 1]} : vector<1024x128xf32> to vector<1024x64xf32>
      %transpose3A_296 = tpu.transpose %slice3A_295, [1, 0] : vector<1024x64xf32> -> vector<64x1024xf32>
      %swap3A_297 = arith.constant 2 : index
      %swap3A_298 = arith.constant 0 : index
      %swap3A_299 = arith.constant 0 : index
      %swap3A_300 = vector.load %arg3[%swap3A_297, %swap3A_298, %swap3A_299] : memref<20x64x1024xf32, #tpu.memory_space<vmem>>, vector<1x64x1024xf32>
      %swap3A_301 = vector.shape_cast %swap3A_300 : vector<1x64x1024xf32> to vector<64x1024xf32>
      %swap3A_302 = vector.shape_cast %transpose3A_296 : vector<64x1024xf32> to vector<1x64x1024xf32>
      tpu.vector_store %arg3[%swap3A_297, %swap3A_298, %swap3A_299], %swap3A_302 {strides = array<i32>} : memref<20x64x1024xf32, #tpu.memory_space<vmem>>, vector<1x64x1024xf32>,
      %get3A_303 = arith.constant 3 : index
      %get3A_304 = arith.constant 0 : index
      %get3A_305 = arith.constant 0 : index
      %get3A_306 = vector.load %arg1[%get3A_303, %get3A_304, %get3A_305] : memref<20x1024x128xf32, #tpu.memory_space<vmem>>, vector<1x1024x128xf32>
      %get3A_307 = vector.shape_cast %get3A_306 : vector<1x1024x128xf32> to vector<1024x128xf32>
      %slice3A_308 = vector.extract_strided_slice %get3A_307 {offsets = [0, 64], sizes = [1024, 64], strides = [1, 1]} : vector<1024x128xf32> to vector<1024x64xf32>
      %transpose3A_309 = tpu.transpose %slice3A_308, [1, 0] : vector<1024x64xf32> -> vector<64x1024xf32>
      %swap3A_310 = arith.constant 3 : index
      %swap3A_311 = arith.constant 0 : index
      %swap3A_312 = arith.constant 0 : index
      %swap3A_313 = vector.load %arg3[%swap3A_310, %swap3A_311, %swap3A_312] : memref<20x64x1024xf32, #tpu.memory_space<vmem>>, vector<1x64x1024xf32>
      %swap3A_314 = vector.shape_cast %swap3A_313 : vector<1x64x1024xf32> to vector<64x1024xf32>
      %swap3A_315 = vector.shape_cast %transpose3A_309 : vector<64x1024xf32> to vector<1x64x1024xf32>
      tpu.vector_store %arg3[%swap3A_310, %swap3A_311, %swap3A_312], %swap3A_315 {strides = array<i32>} : memref<20x64x1024xf32, #tpu.memory_space<vmem>>, vector<1x64x1024xf32>,
      %get3A_316 = arith.constant 4 : index
      %get3A_317 = arith.constant 0 : index
      %get3A_318 = arith.constant 0 : index
      %get3A_319 = vector.load %arg1[%get3A_316, %get3A_317, %get3A_318] : memref<20x1024x128xf32, #tpu.memory_space<vmem>>, vector<1x1024x128xf32>
      %get3A_320 = vector.shape_cast %get3A_319 : vector<1x1024x128xf32> to vector<1024x128xf32>
      %slice3A_321 = vector.extract_strided_slice %get3A_320 {offsets = [0, 64], sizes = [1024, 64], strides = [1, 1]} : vector<1024x128xf32> to vector<1024x64xf32>
      %transpose3A_322 = tpu.transpose %slice3A_321, [1, 0] : vector<1024x64xf32> -> vector<64x1024xf32>
      %swap3A_323 = arith.constant 4 : index
      %swap3A_324 = arith.constant 0 : index
      %swap3A_325 = arith.constant 0 : index
      %swap3A_326 = vector.load %arg3[%swap3A_323, %swap3A_324, %swap3A_325] : memref<20x64x1024xf32, #tpu.memory_space<vmem>>, vector<1x64x1024xf32>
      %swap3A_327 = vector.shape_cast %swap3A_326 : vector<1x64x1024xf32> to vector<64x1024xf32>
      %swap3A_328 = vector.shape_cast %transpose3A_322 : vector<64x1024xf32> to vector<1x64x1024xf32>
      tpu.vector_store %arg3[%swap3A_323, %swap3A_324, %swap3A_325], %swap3A_328 {strides = array<i32>} : memref<20x64x1024xf32, #tpu.memory_space<vmem>>, vector<1x64x1024xf32>,
      %get3A_329 = arith.constant 5 : index
      %get3A_330 = arith.constant 0 : index
      %get3A_331 = arith.constant 0 : index
      %get3A_332 = vector.load %arg1[%get3A_329, %get3A_330, %get3A_331] : memref<20x1024x128xf32, #tpu.memory_space<vmem>>, vector<1x1024x128xf32>
      %get3A_333 = vector.shape_cast %get3A_332 : vector<1x1024x128xf32> to vector<1024x128xf32>
      %slice3A_334 = vector.extract_strided_slice %get3A_333 {offsets = [0, 64], sizes = [1024, 64], strides = [1, 1]} : vector<1024x128xf32> to vector<1024x64xf32>
      %transpose3A_335 = tpu.transpose %slice3A_334, [1, 0] : vector<1024x64xf32> -> vector<64x1024xf32>
      %swap3A_336 = arith.constant 5 : index
      %swap3A_337 = arith.constant 0 : index
      %swap3A_338 = arith.constant 0 : index
      %swap3A_339 = vector.load %arg3[%swap3A_336, %swap3A_337, %swap3A_338] : memref<20x64x1024xf32, #tpu.memory_space<vmem>>, vector<1x64x1024xf32>
      %swap3A_340 = vector.shape_cast %swap3A_339 : vector<1x64x1024xf32> to vector<64x1024xf32>
      %swap3A_341 = vector.shape_cast %transpose3A_335 : vector<64x1024xf32> to vector<1x64x1024xf32>
      tpu.vector_store %arg3[%swap3A_336, %swap3A_337, %swap3A_338], %swap3A_341 {strides = array<i32>} : memref<20x64x1024xf32, #tpu.memory_space<vmem>>, vector<1x64x1024xf32>,
      %get3A_342 = arith.constant 6 : index
      %get3A_343 = arith.constant 0 : index
      %get3A_344 = arith.constant 0 : index
      %get3A_345 = vector.load %arg1[%get3A_342, %get3A_343, %get3A_344] : memref<20x1024x128xf32, #tpu.memory_space<vmem>>, vector<1x1024x128xf32>
      %get3A_346 = vector.shape_cast %get3A_345 : vector<1x1024x128xf32> to vector<1024x128xf32>
      %slice3A_347 = vector.extract_strided_slice %get3A_346 {offsets = [0, 64], sizes = [1024, 64], strides = [1, 1]} : vector<1024x128xf32> to vector<1024x64xf32>
      %transpose3A_348 = tpu.transpose %slice3A_347, [1, 0] : vector<1024x64xf32> -> vector<64x1024xf32>
      %swap3A_349 = arith.constant 6 : index
      %swap3A_350 = arith.constant 0 : index
      %swap3A_351 = arith.constant 0 : index
      %swap3A_352 = vector.load %arg3[%swap3A_349, %swap3A_350, %swap3A_351] : memref<20x64x1024xf32, #tpu.memory_space<vmem>>, vector<1x64x1024xf32>
      %swap3A_353 = vector.shape_cast %swap3A_352 : vector<1x64x1024xf32> to vector<64x1024xf32>
      %swap3A_354 = vector.shape_cast %transpose3A_348 : vector<64x1024xf32> to vector<1x64x1024xf32>
      tpu.vector_store %arg3[%swap3A_349, %swap3A_350, %swap3A_351], %swap3A_354 {strides = array<i32>} : memref<20x64x1024xf32, #tpu.memory_space<vmem>>, vector<1x64x1024xf32>,
      %get3A_355 = arith.constant 7 : index
      %get3A_356 = arith.constant 0 : index
      %get3A_357 = arith.constant 0 : index
      %get3A_358 = vector.load %arg1[%get3A_355, %get3A_356, %get3A_357] : memref<20x1024x128xf32, #tpu.memory_space<vmem>>, vector<1x1024x128xf32>
      %get3A_359 = vector.shape_cast %get3A_358 : vector<1x1024x128xf32> to vector<1024x128xf32>
      %slice3A_360 = vector.extract_strided_slice %get3A_359 {offsets = [0, 64], sizes = [1024, 64], strides = [1, 1]} : vector<1024x128xf32> to vector<1024x64xf32>
      %transpose3A_361 = tpu.transpose %slice3A_360, [1, 0] : vector<1024x64xf32> -> vector<64x1024xf32>
      %swap3A_362 = arith.constant 7 : index
      %swap3A_363 = arith.constant 0 : index
      %swap3A_364 = arith.constant 0 : index
      %swap3A_365 = vector.load %arg3[%swap3A_362, %swap3A_363, %swap3A_364] : memref<20x64x1024xf32, #tpu.memory_space<vmem>>, vector<1x64x1024xf32>
      %swap3A_366 = vector.shape_cast %swap3A_365 : vector<1x64x1024xf32> to vector<64x1024xf32>
      %swap3A_367 = vector.shape_cast %transpose3A_361 : vector<64x1024xf32> to vector<1x64x1024xf32>
      tpu.vector_store %arg3[%swap3A_362, %swap3A_363, %swap3A_364], %swap3A_367 {strides = array<i32>} : memref<20x64x1024xf32, #tpu.memory_space<vmem>>, vector<1x64x1024xf32>,
      %get3A_368 = arith.constant 8 : index
      %get3A_369 = arith.constant 0 : index
      %get3A_370 = arith.constant 0 : index
      %get3A_371 = vector.load %arg1[%get3A_368, %get3A_369, %get3A_370] : memref<20x1024x128xf32, #tpu.memory_space<vmem>>, vector<1x1024x128xf32>
      %get3A_372 = vector.shape_cast %get3A_371 : vector<1x1024x128xf32> to vector<1024x128xf32>
      %slice3A_373 = vector.extract_strided_slice %get3A_372 {offsets = [0, 64], sizes = [1024, 64], strides = [1, 1]} : vector<1024x128xf32> to vector<1024x64xf32>
      %transpose3A_374 = tpu.transpose %slice3A_373, [1, 0] : vector<1024x64xf32> -> vector<64x1024xf32>
      %swap3A_375 = arith.constant 8 : index
      %swap3A_376 = arith.constant 0 : index
      %swap3A_377 = arith.constant 0 : index
      %swap3A_378 = vector.load %arg3[%swap3A_375, %swap3A_376, %swap3A_377] : memref<20x64x1024xf32, #tpu.memory_space<vmem>>, vector<1x64x1024xf32>
      %swap3A_379 = vector.shape_cast %swap3A_378 : vector<1x64x1024xf32> to vector<64x1024xf32>
      %swap3A_380 = vector.shape_cast %transpose3A_374 : vector<64x1024xf32> to vector<1x64x1024xf32>
      tpu.vector_store %arg3[%swap3A_375, %swap3A_376, %swap3A_377], %swap3A_380 {strides = array<i32>} : memref<20x64x1024xf32, #tpu.memory_space<vmem>>, vector<1x64x1024xf32>,
      %get3A_381 = arith.constant 9 : index
      %get3A_382 = arith.constant 0 : index
      %get3A_383 = arith.constant 0 : index
      %get3A_384 = vector.load %arg1[%get3A_381, %get3A_382, %get3A_383] : memref<20x1024x128xf32, #tpu.memory_space<vmem>>, vector<1x1024x128xf32>
      %get3A_385 = vector.shape_cast %get3A_384 : vector<1x1024x128xf32> to vector<1024x128xf32>
      %slice3A_386 = vector.extract_strided_slice %get3A_385 {offsets = [0, 64], sizes = [1024, 64], strides = [1, 1]} : vector<1024x128xf32> to vector<1024x64xf32>
      %transpose3A_387 = tpu.transpose %slice3A_386, [1, 0] : vector<1024x64xf32> -> vector<64x1024xf32>
      %swap3A_388 = arith.constant 9 : index
      %swap3A_389 = arith.constant 0 : index
      %swap3A_390 = arith.constant 0 : index
      %swap3A_391 = vector.load %arg3[%swap3A_388, %swap3A_389, %swap3A_390] : memref<20x64x1024xf32, #tpu.memory_space<vmem>>, vector<1x64x1024xf32>
      %swap3A_392 = vector.shape_cast %swap3A_391 : vector<1x64x1024xf32> to vector<64x1024xf32>
      %swap3A_393 = vector.shape_cast %transpose3A_387 : vector<64x1024xf32> to vector<1x64x1024xf32>
      tpu.vector_store %arg3[%swap3A_388, %swap3A_389, %swap3A_390], %swap3A_393 {strides = array<i32>} : memref<20x64x1024xf32, #tpu.memory_space<vmem>>, vector<1x64x1024xf32>,
      %get3A_394 = arith.constant 10 : index
      %get3A_395 = arith.constant 0 : index
      %get3A_396 = arith.constant 0 : index
      %get3A_397 = vector.load %arg1[%get3A_394, %get3A_395, %get3A_396] : memref<20x1024x128xf32, #tpu.memory_space<vmem>>, vector<1x1024x128xf32>
      %get3A_398 = vector.shape_cast %get3A_397 : vector<1x1024x128xf32> to vector<1024x128xf32>
      %slice3A_399 = vector.extract_strided_slice %get3A_398 {offsets = [0, 64], sizes = [1024, 64], strides = [1, 1]} : vector<1024x128xf32> to vector<1024x64xf32>
      %transpose3A_400 = tpu.transpose %slice3A_399, [1, 0] : vector<1024x64xf32> -> vector<64x1024xf32>
      %swap3A_401 = arith.constant 10 : index
      %swap3A_402 = arith.constant 0 : index
      %swap3A_403 = arith.constant 0 : index
      %swap3A_404 = vector.load %arg3[%swap3A_401, %swap3A_402, %swap3A_403] : memref<20x64x1024xf32, #tpu.memory_space<vmem>>, vector<1x64x1024xf32>
      %swap3A_405 = vector.shape_cast %swap3A_404 : vector<1x64x1024xf32> to vector<64x1024xf32>
      %swap3A_406 = vector.shape_cast %transpose3A_400 : vector<64x1024xf32> to vector<1x64x1024xf32>
      tpu.vector_store %arg3[%swap3A_401, %swap3A_402, %swap3A_403], %swap3A_406 {strides = array<i32>} : memref<20x64x1024xf32, #tpu.memory_space<vmem>>, vector<1x64x1024xf32>,
      %get3A_407 = arith.constant 11 : index
      %get3A_408 = arith.constant 0 : index
      %get3A_409 = arith.constant 0 : index
      %get3A_410 = vector.load %arg1[%get3A_407, %get3A_408, %get3A_409] : memref<20x1024x128xf32, #tpu.memory_space<vmem>>, vector<1x1024x128xf32>
      %get3A_411 = vector.shape_cast %get3A_410 : vector<1x1024x128xf32> to vector<1024x128xf32>
      %slice3A_412 = vector.extract_strided_slice %get3A_411 {offsets = [0, 64], sizes = [1024, 64], strides = [1, 1]} : vector<1024x128xf32> to vector<1024x64xf32>
      %transpose3A_413 = tpu.transpose %slice3A_412, [1, 0] : vector<1024x64xf32> -> vector<64x1024xf32>
      %swap3A_414 = arith.constant 11 : index
      %swap3A_415 = arith.constant 0 : index
      %swap3A_416 = arith.constant 0 : index
      %swap3A_417 = vector.load %arg3[%swap3A_414, %swap3A_415, %swap3A_416] : memref<20x64x1024xf32, #tpu.memory_space<vmem>>, vector<1x64x1024xf32>
      %swap3A_418 = vector.shape_cast %swap3A_417 : vector<1x64x1024xf32> to vector<64x1024xf32>
      %swap3A_419 = vector.shape_cast %transpose3A_413 : vector<64x1024xf32> to vector<1x64x1024xf32>
      tpu.vector_store %arg3[%swap3A_414, %swap3A_415, %swap3A_416], %swap3A_419 {strides = array<i32>} : memref<20x64x1024xf32, #tpu.memory_space<vmem>>, vector<1x64x1024xf32>,
      %get3A_420 = arith.constant 12 : index
      %get3A_421 = arith.constant 0 : index
      %get3A_422 = arith.constant 0 : index
      %get3A_423 = vector.load %arg1[%get3A_420, %get3A_421, %get3A_422] : memref<20x1024x128xf32, #tpu.memory_space<vmem>>, vector<1x1024x128xf32>
      %get3A_424 = vector.shape_cast %get3A_423 : vector<1x1024x128xf32> to vector<1024x128xf32>
      %slice3A_425 = vector.extract_strided_slice %get3A_424 {offsets = [0, 64], sizes = [1024, 64], strides = [1, 1]} : vector<1024x128xf32> to vector<1024x64xf32>
      %transpose3A_426 = tpu.transpose %slice3A_425, [1, 0] : vector<1024x64xf32> -> vector<64x1024xf32>
      %swap3A_427 = arith.constant 12 : index
      %swap3A_428 = arith.constant 0 : index
      %swap3A_429 = arith.constant 0 : index
      %swap3A_430 = vector.load %arg3[%swap3A_427, %swap3A_428, %swap3A_429] : memref<20x64x1024xf32, #tpu.memory_space<vmem>>, vector<1x64x1024xf32>
      %swap3A_431 = vector.shape_cast %swap3A_430 : vector<1x64x1024xf32> to vector<64x1024xf32>
      %swap3A_432 = vector.shape_cast %transpose3A_426 : vector<64x1024xf32> to vector<1x64x1024xf32>
      tpu.vector_store %arg3[%swap3A_427, %swap3A_428, %swap3A_429], %swap3A_432 {strides = array<i32>} : memref<20x64x1024xf32, #tpu.memory_space<vmem>>, vector<1x64x1024xf32>,
      %get3A_433 = arith.constant 13 : index
      %get3A_434 = arith.constant 0 : index
      %get3A_435 = arith.constant 0 : index
      %get3A_436 = vector.load %arg1[%get3A_433, %get3A_434, %get3A_435] : memref<20x1024x128xf32, #tpu.memory_space<vmem>>, vector<1x1024x128xf32>
      %get3A_437 = vector.shape_cast %get3A_436 : vector<1x1024x128xf32> to vector<1024x128xf32>
      %slice3A_438 = vector.extract_strided_slice %get3A_437 {offsets = [0, 64], sizes = [1024, 64], strides = [1, 1]} : vector<1024x128xf32> to vector<1024x64xf32>
      %transpose3A_439 = tpu.transpose %slice3A_438, [1, 0] : vector<1024x64xf32> -> vector<64x1024xf32>
      %swap3A_440 = arith.constant 13 : index
      %swap3A_441 = arith.constant 0 : index
      %swap3A_442 = arith.constant 0 : index
      %swap3A_443 = vector.load %arg3[%swap3A_440, %swap3A_441, %swap3A_442] : memref<20x64x1024xf32, #tpu.memory_space<vmem>>, vector<1x64x1024xf32>
      %swap3A_444 = vector.shape_cast %swap3A_443 : vector<1x64x1024xf32> to vector<64x1024xf32>
      %swap3A_445 = vector.shape_cast %transpose3A_439 : vector<64x1024xf32> to vector<1x64x1024xf32>
      tpu.vector_store %arg3[%swap3A_440, %swap3A_441, %swap3A_442], %swap3A_445 {strides = array<i32>} : memref<20x64x1024xf32, #tpu.memory_space<vmem>>, vector<1x64x1024xf32>,
      %get3A_446 = arith.constant 14 : index
      %get3A_447 = arith.constant 0 : index
      %get3A_448 = arith.constant 0 : index
      %get3A_449 = vector.load %arg1[%get3A_446, %get3A_447, %get3A_448] : memref<20x1024x128xf32, #tpu.memory_space<vmem>>, vector<1x1024x128xf32>
      %get3A_450 = vector.shape_cast %get3A_449 : vector<1x1024x128xf32> to vector<1024x128xf32>
      %slice3A_451 = vector.extract_strided_slice %get3A_450 {offsets = [0, 64], sizes = [1024, 64], strides = [1, 1]} : vector<1024x128xf32> to vector<1024x64xf32>
      %transpose3A_452 = tpu.transpose %slice3A_451, [1, 0] : vector<1024x64xf32> -> vector<64x1024xf32>
      %swap3A_453 = arith.constant 14 : index
      %swap3A_454 = arith.constant 0 : index
      %swap3A_455 = arith.constant 0 : index
      %swap3A_456 = vector.load %arg3[%swap3A_453, %swap3A_454, %swap3A_455] : memref<20x64x1024xf32, #tpu.memory_space<vmem>>, vector<1x64x1024xf32>
      %swap3A_457 = vector.shape_cast %swap3A_456 : vector<1x64x1024xf32> to vector<64x1024xf32>
      %swap3A_458 = vector.shape_cast %transpose3A_452 : vector<64x1024xf32> to vector<1x64x1024xf32>
      tpu.vector_store %arg3[%swap3A_453, %swap3A_454, %swap3A_455], %swap3A_458 {strides = array<i32>} : memref<20x64x1024xf32, #tpu.memory_space<vmem>>, vector<1x64x1024xf32>,
      %get3A_459 = arith.constant 15 : index
      %get3A_460 = arith.constant 0 : index
      %get3A_461 = arith.constant 0 : index
      %get3A_462 = vector.load %arg1[%get3A_459, %get3A_460, %get3A_461] : memref<20x1024x128xf32, #tpu.memory_space<vmem>>, vector<1x1024x128xf32>
      %get3A_463 = vector.shape_cast %get3A_462 : vector<1x1024x128xf32> to vector<1024x128xf32>
      %slice3A_464 = vector.extract_strided_slice %get3A_463 {offsets = [0, 64], sizes = [1024, 64], strides = [1, 1]} : vector<1024x128xf32> to vector<1024x64xf32>
      %transpose3A_465 = tpu.transpose %slice3A_464, [1, 0] : vector<1024x64xf32> -> vector<64x1024xf32>
      %swap3A_466 = arith.constant 15 : index
      %swap3A_467 = arith.constant 0 : index
      %swap3A_468 = arith.constant 0 : index
      %swap3A_469 = vector.load %arg3[%swap3A_466, %swap3A_467, %swap3A_468] : memref<20x64x1024xf32, #tpu.memory_space<vmem>>, vector<1x64x1024xf32>
      %swap3A_470 = vector.shape_cast %swap3A_469 : vector<1x64x1024xf32> to vector<64x1024xf32>
      %swap3A_471 = vector.shape_cast %transpose3A_465 : vector<64x1024xf32> to vector<1x64x1024xf32>
      tpu.vector_store %arg3[%swap3A_466, %swap3A_467, %swap3A_468], %swap3A_471 {strides = array<i32>} : memref<20x64x1024xf32, #tpu.memory_space<vmem>>, vector<1x64x1024xf32>,
      %get3A_472 = arith.constant 16 : index
      %get3A_473 = arith.constant 0 : index
      %get3A_474 = arith.constant 0 : index
      %get3A_475 = vector.load %arg1[%get3A_472, %get3A_473, %get3A_474] : memref<20x1024x128xf32, #tpu.memory_space<vmem>>, vector<1x1024x128xf32>
      %get3A_476 = vector.shape_cast %get3A_475 : vector<1x1024x128xf32> to vector<1024x128xf32>
      %slice3A_477 = vector.extract_strided_slice %get3A_476 {offsets = [0, 64], sizes = [1024, 64], strides = [1, 1]} : vector<1024x128xf32> to vector<1024x64xf32>
      %transpose3A_478 = tpu.transpose %slice3A_477, [1, 0] : vector<1024x64xf32> -> vector<64x1024xf32>
      %swap3A_479 = arith.constant 16 : index
      %swap3A_480 = arith.constant 0 : index
      %swap3A_481 = arith.constant 0 : index
      %swap3A_482 = vector.load %arg3[%swap3A_479, %swap3A_480, %swap3A_481] : memref<20x64x1024xf32, #tpu.memory_space<vmem>>, vector<1x64x1024xf32>
      %swap3A_483 = vector.shape_cast %swap3A_482 : vector<1x64x1024xf32> to vector<64x1024xf32>
      %swap3A_484 = vector.shape_cast %transpose3A_478 : vector<64x1024xf32> to vector<1x64x1024xf32>
      tpu.vector_store %arg3[%swap3A_479, %swap3A_480, %swap3A_481], %swap3A_484 {strides = array<i32>} : memref<20x64x1024xf32, #tpu.memory_space<vmem>>, vector<1x64x1024xf32>,
      %get3A_485 = arith.constant 17 : index
      %get3A_486 = arith.constant 0 : index
      %get3A_487 = arith.constant 0 : index
      %get3A_488 = vector.load %arg1[%get3A_485, %get3A_486, %get3A_487] : memref<20x1024x128xf32, #tpu.memory_space<vmem>>, vector<1x1024x128xf32>
      %get3A_489 = vector.shape_cast %get3A_488 : vector<1x1024x128xf32> to vector<1024x128xf32>
      %slice3A_490 = vector.extract_strided_slice %get3A_489 {offsets = [0, 64], sizes = [1024, 64], strides = [1, 1]} : vector<1024x128xf32> to vector<1024x64xf32>
      %transpose3A_491 = tpu.transpose %slice3A_490, [1, 0] : vector<1024x64xf32> -> vector<64x1024xf32>
      %swap3A_492 = arith.constant 17 : index
      %swap3A_493 = arith.constant 0 : index
      %swap3A_494 = arith.constant 0 : index
      %swap3A_495 = vector.load %arg3[%swap3A_492, %swap3A_493, %swap3A_494] : memref<20x64x1024xf32, #tpu.memory_space<vmem>>, vector<1x64x1024xf32>
      %swap3A_496 = vector.shape_cast %swap3A_495 : vector<1x64x1024xf32> to vector<64x1024xf32>
      %swap3A_497 = vector.shape_cast %transpose3A_491 : vector<64x1024xf32> to vector<1x64x1024xf32>
      tpu.vector_store %arg3[%swap3A_492, %swap3A_493, %swap3A_494], %swap3A_497 {strides = array<i32>} : memref<20x64x1024xf32, #tpu.memory_space<vmem>>, vector<1x64x1024xf32>,
      %get3A_498 = arith.constant 18 : index
      %get3A_499 = arith.constant 0 : index
      %get3A_500 = arith.constant 0 : index
      %get3A_501 = vector.load %arg1[%get3A_498, %get3A_499, %get3A_500] : memref<20x1024x128xf32, #tpu.memory_space<vmem>>, vector<1x1024x128xf32>
      %get3A_502 = vector.shape_cast %get3A_501 : vector<1x1024x128xf32> to vector<1024x128xf32>
      %slice3A_503 = vector.extract_strided_slice %get3A_502 {offsets = [0, 64], sizes = [1024, 64], strides = [1, 1]} : vector<1024x128xf32> to vector<1024x64xf32>
      %transpose3A_504 = tpu.transpose %slice3A_503, [1, 0] : vector<1024x64xf32> -> vector<64x1024xf32>
      %swap3A_505 = arith.constant 18 : index
      %swap3A_506 = arith.constant 0 : index
      %swap3A_507 = arith.constant 0 : index
      %swap3A_508 = vector.load %arg3[%swap3A_505, %swap3A_506, %swap3A_507] : memref<20x64x1024xf32, #tpu.memory_space<vmem>>, vector<1x64x1024xf32>
      %swap3A_509 = vector.shape_cast %swap3A_508 : vector<1x64x1024xf32> to vector<64x1024xf32>
      %swap3A_510 = vector.shape_cast %transpose3A_504 : vector<64x1024xf32> to vector<1x64x1024xf32>
      tpu.vector_store %arg3[%swap3A_505, %swap3A_506, %swap3A_507], %swap3A_510 {strides = array<i32>} : memref<20x64x1024xf32, #tpu.memory_space<vmem>>, vector<1x64x1024xf32>,
      %get3A_511 = arith.constant 19 : index
      %get3A_512 = arith.constant 0 : index
      %get3A_513 = arith.constant 0 : index
      %get3A_514 = vector.load %arg1[%get3A_511, %get3A_512, %get3A_513] : memref<20x1024x128xf32, #tpu.memory_space<vmem>>, vector<1x1024x128xf32>
      %get3A_515 = vector.shape_cast %get3A_514 : vector<1x1024x128xf32> to vector<1024x128xf32>
      %slice3A_516 = vector.extract_strided_slice %get3A_515 {offsets = [0, 64], sizes = [1024, 64], strides = [1, 1]} : vector<1024x128xf32> to vector<1024x64xf32>
      %transpose3A_517 = tpu.transpose %slice3A_516, [1, 0] : vector<1024x64xf32> -> vector<64x1024xf32>
      %swap3A_518 = arith.constant 19 : index
      %swap3A_519 = arith.constant 0 : index
      %swap3A_520 = arith.constant 0 : index
      %swap3A_521 = vector.load %arg3[%swap3A_518, %swap3A_519, %swap3A_520] : memref<20x64x1024xf32, #tpu.memory_space<vmem>>, vector<1x64x1024xf32>
      %swap3A_522 = vector.shape_cast %swap3A_521 : vector<1x64x1024xf32> to vector<64x1024xf32>
      %swap3A_523 = vector.shape_cast %transpose3A_517 : vector<64x1024xf32> to vector<1x64x1024xf32>
      tpu.vector_store %arg3[%swap3A_518, %swap3A_519, %swap3A_520], %swap3A_523 {strides = array<i32>} : memref<20x64x1024xf32, #tpu.memory_space<vmem>>, vector<1x64x1024xf32>,
    } else {
    }
    %get3A = arith.index_cast %arg0 : i32 to index
    %get3A_2 = arith.constant 0 : index
    %get3A_3 = arith.constant 0 : index
    %get3A_4 = vector.load %arg1[%get3A, %get3A_2, %get3A_3] : memref<20x1024x128xf32, #tpu.memory_space<vmem>>, vector<1x1024x128xf32>
    %get3A_5 = vector.shape_cast %get3A_4 : vector<1x1024x128xf32> to vector<1024x128xf32>
    %slice3A = vector.extract_strided_slice %get3A_5 {offsets = [0, 0], sizes = [1024, 64], strides = [1, 1]} : vector<1024x128xf32> to vector<1024x64xf32>
    %transpose3A = tpu.transpose %slice3A, [1, 0] : vector<1024x64xf32> -> vector<64x1024xf32>
    %get3A_6 = arith.constant 0 : index
    %get3A_7 = arith.constant 0 : index
    %get3A_8 = arith.constant 0 : index
    %get3A_9 = vector.load %arg3[%get3A_6, %get3A_7, %get3A_8] : memref<20x64x1024xf32, #tpu.memory_space<vmem>>, vector<1x64x1024xf32>
    %get3A_10 = vector.shape_cast %get3A_9 : vector<1x64x1024xf32> to vector<64x1024xf32>
    %add3A = arith.addf %transpose3A, %get3A_10 : vector<64x1024xf32>
    %swap3A = arith.constant 0 : index
    %swap3A_11 = arith.constant 0 : index
    %swap3A_12 = arith.constant 0 : index
    %swap3A_13 = arith.constant 0 : index
    %swap3A_14 = vector.load %arg2[%swap3A, %swap3A_11, %swap3A_12, %swap3A_13] : memref<1x20x64x1024xf32, #tpu.memory_space<vmem>>, vector<1x1x64x1024xf32>
    %swap3A_15 = vector.shape_cast %swap3A_14 : vector<1x1x64x1024xf32> to vector<64x1024xf32>
    %swap3A_16 = vector.shape_cast %add3A : vector<64x1024xf32> to vector<1x1x64x1024xf32>
    tpu.vector_store %arg2[%swap3A, %swap3A_11, %swap3A_12, %swap3A_13], %swap3A_16 {strides = array<i32>} : memref<1x20x64x1024xf32, #tpu.memory_space<vmem>>, vector<1x1x64x1024xf32>,
    %get3A_17 = arith.constant 1 : index
    %get3A_18 = arith.constant 0 : index
    %get3A_19 = arith.constant 0 : index
    %get3A_20 = vector.load %arg3[%get3A_17, %get3A_18, %get3A_19] : memref<20x64x1024xf32, #tpu.memory_space<vmem>>, vector<1x64x1024xf32>
    %get3A_21 = vector.shape_cast %get3A_20 : vector<1x64x1024xf32> to vector<64x1024xf32>
    %add3A_22 = arith.addf %transpose3A, %get3A_21 : vector<64x1024xf32>
    %swap3A_23 = arith.constant 0 : index
    %swap3A_24 = arith.constant 1 : index
    %swap3A_25 = arith.constant 0 : index
    %swap3A_26 = arith.constant 0 : index
    %swap3A_27 = vector.load %arg2[%swap3A_23, %swap3A_24, %swap3A_25, %swap3A_26] : memref<1x20x64x1024xf32, #tpu.memory_space<vmem>>, vector<1x1x64x1024xf32>
    %swap3A_28 = vector.shape_cast %swap3A_27 : vector<1x1x64x1024xf32> to vector<64x1024xf32>
    %swap3A_29 = vector.shape_cast %add3A_22 : vector<64x1024xf32> to vector<1x1x64x1024xf32>
    tpu.vector_store %arg2[%swap3A_23, %swap3A_24, %swap3A_25, %swap3A_26], %swap3A_29 {strides = array<i32>} : memref<1x20x64x1024xf32, #tpu.memory_space<vmem>>, vector<1x1x64x1024xf32>,
    %get3A_30 = arith.constant 2 : index
    %get3A_31 = arith.constant 0 : index
    %get3A_32 = arith.constant 0 : index
    %get3A_33 = vector.load %arg3[%get3A_30, %get3A_31, %get3A_32] : memref<20x64x1024xf32, #tpu.memory_space<vmem>>, vector<1x64x1024xf32>
    %get3A_34 = vector.shape_cast %get3A_33 : vector<1x64x1024xf32> to vector<64x1024xf32>
    %add3A_35 = arith.addf %transpose3A, %get3A_34 : vector<64x1024xf32>
    %swap3A_36 = arith.constant 0 : index
    %swap3A_37 = arith.constant 2 : index
    %swap3A_38 = arith.constant 0 : index
    %swap3A_39 = arith.constant 0 : index
    %swap3A_40 = vector.load %arg2[%swap3A_36, %swap3A_37, %swap3A_38, %swap3A_39] : memref<1x20x64x1024xf32, #tpu.memory_space<vmem>>, vector<1x1x64x1024xf32>
    %swap3A_41 = vector.shape_cast %swap3A_40 : vector<1x1x64x1024xf32> to vector<64x1024xf32>
    %swap3A_42 = vector.shape_cast %add3A_35 : vector<64x1024xf32> to vector<1x1x64x1024xf32>
    tpu.vector_store %arg2[%swap3A_36, %swap3A_37, %swap3A_38, %swap3A_39], %swap3A_42 {strides = array<i32>} : memref<1x20x64x1024xf32, #tpu.memory_space<vmem>>, vector<1x1x64x1024xf32>,
    %get3A_43 = arith.constant 3 : index
    %get3A_44 = arith.constant 0 : index
    %get3A_45 = arith.constant 0 : index
    %get3A_46 = vector.load %arg3[%get3A_43, %get3A_44, %get3A_45] : memref<20x64x1024xf32, #tpu.memory_space<vmem>>, vector<1x64x1024xf32>
    %get3A_47 = vector.shape_cast %get3A_46 : vector<1x64x1024xf32> to vector<64x1024xf32>
    %add3A_48 = arith.addf %transpose3A, %get3A_47 : vector<64x1024xf32>
    %swap3A_49 = arith.constant 0 : index
    %swap3A_50 = arith.constant 3 : index
    %swap3A_51 = arith.constant 0 : index
    %swap3A_52 = arith.constant 0 : index
    %swap3A_53 = vector.load %arg2[%swap3A_49, %swap3A_50, %swap3A_51, %swap3A_52] : memref<1x20x64x1024xf32, #tpu.memory_space<vmem>>, vector<1x1x64x1024xf32>
    %swap3A_54 = vector.shape_cast %swap3A_53 : vector<1x1x64x1024xf32> to vector<64x1024xf32>
    %swap3A_55 = vector.shape_cast %add3A_48 : vector<64x1024xf32> to vector<1x1x64x1024xf32>
    tpu.vector_store %arg2[%swap3A_49, %swap3A_50, %swap3A_51, %swap3A_52], %swap3A_55 {strides = array<i32>} : memref<1x20x64x1024xf32, #tpu.memory_space<vmem>>, vector<1x1x64x1024xf32>,
    %get3A_56 = arith.constant 4 : index
    %get3A_57 = arith.constant 0 : index
    %get3A_58 = arith.constant 0 : index
    %get3A_59 = vector.load %arg3[%get3A_56, %get3A_57, %get3A_58] : memref<20x64x1024xf32, #tpu.memory_space<vmem>>, vector<1x64x1024xf32>
    %get3A_60 = vector.shape_cast %get3A_59 : vector<1x64x1024xf32> to vector<64x1024xf32>
    %add3A_61 = arith.addf %transpose3A, %get3A_60 : vector<64x1024xf32>
    %swap3A_62 = arith.constant 0 : index
    %swap3A_63 = arith.constant 4 : index
    %swap3A_64 = arith.constant 0 : index
    %swap3A_65 = arith.constant 0 : index
    %swap3A_66 = vector.load %arg2[%swap3A_62, %swap3A_63, %swap3A_64, %swap3A_65] : memref<1x20x64x1024xf32, #tpu.memory_space<vmem>>, vector<1x1x64x1024xf32>
    %swap3A_67 = vector.shape_cast %swap3A_66 : vector<1x1x64x1024xf32> to vector<64x1024xf32>
    %swap3A_68 = vector.shape_cast %add3A_61 : vector<64x1024xf32> to vector<1x1x64x1024xf32>
    tpu.vector_store %arg2[%swap3A_62, %swap3A_63, %swap3A_64, %swap3A_65], %swap3A_68 {strides = array<i32>} : memref<1x20x64x1024xf32, #tpu.memory_space<vmem>>, vector<1x1x64x1024xf32>,
    %get3A_69 = arith.constant 5 : index
    %get3A_70 = arith.constant 0 : index
    %get3A_71 = arith.constant 0 : index
    %get3A_72 = vector.load %arg3[%get3A_69, %get3A_70, %get3A_71] : memref<20x64x1024xf32, #tpu.memory_space<vmem>>, vector<1x64x1024xf32>
    %get3A_73 = vector.shape_cast %get3A_72 : vector<1x64x1024xf32> to vector<64x1024xf32>
    %add3A_74 = arith.addf %transpose3A, %get3A_73 : vector<64x1024xf32>
    %swap3A_75 = arith.constant 0 : index
    %swap3A_76 = arith.constant 5 : index
    %swap3A_77 = arith.constant 0 : index
    %swap3A_78 = arith.constant 0 : index
    %swap3A_79 = vector.load %arg2[%swap3A_75, %swap3A_76, %swap3A_77, %swap3A_78] : memref<1x20x64x1024xf32, #tpu.memory_space<vmem>>, vector<1x1x64x1024xf32>
    %swap3A_80 = vector.shape_cast %swap3A_79 : vector<1x1x64x1024xf32> to vector<64x1024xf32>
    %swap3A_81 = vector.shape_cast %add3A_74 : vector<64x1024xf32> to vector<1x1x64x1024xf32>
    tpu.vector_store %arg2[%swap3A_75, %swap3A_76, %swap3A_77, %swap3A_78], %swap3A_81 {strides = array<i32>} : memref<1x20x64x1024xf32, #tpu.memory_space<vmem>>, vector<1x1x64x1024xf32>,
    %get3A_82 = arith.constant 6 : index
    %get3A_83 = arith.constant 0 : index
    %get3A_84 = arith.constant 0 : index
    %get3A_85 = vector.load %arg3[%get3A_82, %get3A_83, %get3A_84] : memref<20x64x1024xf32, #tpu.memory_space<vmem>>, vector<1x64x1024xf32>
    %get3A_86 = vector.shape_cast %get3A_85 : vector<1x64x1024xf32> to vector<64x1024xf32>
    %add3A_87 = arith.addf %transpose3A, %get3A_86 : vector<64x1024xf32>
    %swap3A_88 = arith.constant 0 : index
    %swap3A_89 = arith.constant 6 : index
    %swap3A_90 = arith.constant 0 : index
    %swap3A_91 = arith.constant 0 : index
    %swap3A_92 = vector.load %arg2[%swap3A_88, %swap3A_89, %swap3A_90, %swap3A_91] : memref<1x20x64x1024xf32, #tpu.memory_space<vmem>>, vector<1x1x64x1024xf32>
    %swap3A_93 = vector.shape_cast %swap3A_92 : vector<1x1x64x1024xf32> to vector<64x1024xf32>
    %swap3A_94 = vector.shape_cast %add3A_87 : vector<64x1024xf32> to vector<1x1x64x1024xf32>
    tpu.vector_store %arg2[%swap3A_88, %swap3A_89, %swap3A_90, %swap3A_91], %swap3A_94 {strides = array<i32>} : memref<1x20x64x1024xf32, #tpu.memory_space<vmem>>, vector<1x1x64x1024xf32>,
    %get3A_95 = arith.constant 7 : index
    %get3A_96 = arith.constant 0 : index
    %get3A_97 = arith.constant 0 : index
    %get3A_98 = vector.load %arg3[%get3A_95, %get3A_96, %get3A_97] : memref<20x64x1024xf32, #tpu.memory_space<vmem>>, vector<1x64x1024xf32>
    %get3A_99 = vector.shape_cast %get3A_98 : vector<1x64x1024xf32> to vector<64x1024xf32>
    %add3A_100 = arith.addf %transpose3A, %get3A_99 : vector<64x1024xf32>
    %swap3A_101 = arith.constant 0 : index
    %swap3A_102 = arith.constant 7 : index
    %swap3A_103 = arith.constant 0 : index
    %swap3A_104 = arith.constant 0 : index
    %swap3A_105 = vector.load %arg2[%swap3A_101, %swap3A_102, %swap3A_103, %swap3A_104] : memref<1x20x64x1024xf32, #tpu.memory_space<vmem>>, vector<1x1x64x1024xf32>
    %swap3A_106 = vector.shape_cast %swap3A_105 : vector<1x1x64x1024xf32> to vector<64x1024xf32>
    %swap3A_107 = vector.shape_cast %add3A_100 : vector<64x1024xf32> to vector<1x1x64x1024xf32>
    tpu.vector_store %arg2[%swap3A_101, %swap3A_102, %swap3A_103, %swap3A_104], %swap3A_107 {strides = array<i32>} : memref<1x20x64x1024xf32, #tpu.memory_space<vmem>>, vector<1x1x64x1024xf32>,
    %get3A_108 = arith.constant 8 : index
    %get3A_109 = arith.constant 0 : index
    %get3A_110 = arith.constant 0 : index
    %get3A_111 = vector.load %arg3[%get3A_108, %get3A_109, %get3A_110] : memref<20x64x1024xf32, #tpu.memory_space<vmem>>, vector<1x64x1024xf32>
    %get3A_112 = vector.shape_cast %get3A_111 : vector<1x64x1024xf32> to vector<64x1024xf32>
    %add3A_113 = arith.addf %transpose3A, %get3A_112 : vector<64x1024xf32>
    %swap3A_114 = arith.constant 0 : index
    %swap3A_115 = arith.constant 8 : index
    %swap3A_116 = arith.constant 0 : index
    %swap3A_117 = arith.constant 0 : index
    %swap3A_118 = vector.load %arg2[%swap3A_114, %swap3A_115, %swap3A_116, %swap3A_117] : memref<1x20x64x1024xf32, #tpu.memory_space<vmem>>, vector<1x1x64x1024xf32>
    %swap3A_119 = vector.shape_cast %swap3A_118 : vector<1x1x64x1024xf32> to vector<64x1024xf32>
    %swap3A_120 = vector.shape_cast %add3A_113 : vector<64x1024xf32> to vector<1x1x64x1024xf32>
    tpu.vector_store %arg2[%swap3A_114, %swap3A_115, %swap3A_116, %swap3A_117], %swap3A_120 {strides = array<i32>} : memref<1x20x64x1024xf32, #tpu.memory_space<vmem>>, vector<1x1x64x1024xf32>,
    %get3A_121 = arith.constant 9 : index
    %get3A_122 = arith.constant 0 : index
    %get3A_123 = arith.constant 0 : index
    %get3A_124 = vector.load %arg3[%get3A_121, %get3A_122, %get3A_123] : memref<20x64x1024xf32, #tpu.memory_space<vmem>>, vector<1x64x1024xf32>
    %get3A_125 = vector.shape_cast %get3A_124 : vector<1x64x1024xf32> to vector<64x1024xf32>
    %add3A_126 = arith.addf %transpose3A, %get3A_125 : vector<64x1024xf32>
    %swap3A_127 = arith.constant 0 : index
    %swap3A_128 = arith.constant 9 : index
    %swap3A_129 = arith.constant 0 : index
    %swap3A_130 = arith.constant 0 : index
    %swap3A_131 = vector.load %arg2[%swap3A_127, %swap3A_128, %swap3A_129, %swap3A_130] : memref<1x20x64x1024xf32, #tpu.memory_space<vmem>>, vector<1x1x64x1024xf32>
    %swap3A_132 = vector.shape_cast %swap3A_131 : vector<1x1x64x1024xf32> to vector<64x1024xf32>
    %swap3A_133 = vector.shape_cast %add3A_126 : vector<64x1024xf32> to vector<1x1x64x1024xf32>
    tpu.vector_store %arg2[%swap3A_127, %swap3A_128, %swap3A_129, %swap3A_130], %swap3A_133 {strides = array<i32>} : memref<1x20x64x1024xf32, #tpu.memory_space<vmem>>, vector<1x1x64x1024xf32>,
    %get3A_134 = arith.constant 10 : index
    %get3A_135 = arith.constant 0 : index
    %get3A_136 = arith.constant 0 : index
    %get3A_137 = vector.load %arg3[%get3A_134, %get3A_135, %get3A_136] : memref<20x64x1024xf32, #tpu.memory_space<vmem>>, vector<1x64x1024xf32>
    %get3A_138 = vector.shape_cast %get3A_137 : vector<1x64x1024xf32> to vector<64x1024xf32>
    %add3A_139 = arith.addf %transpose3A, %get3A_138 : vector<64x1024xf32>
    %swap3A_140 = arith.constant 0 : index
    %swap3A_141 = arith.constant 10 : index
    %swap3A_142 = arith.constant 0 : index
    %swap3A_143 = arith.constant 0 : index
    %swap3A_144 = vector.load %arg2[%swap3A_140, %swap3A_141, %swap3A_142, %swap3A_143] : memref<1x20x64x1024xf32, #tpu.memory_space<vmem>>, vector<1x1x64x1024xf32>
    %swap3A_145 = vector.shape_cast %swap3A_144 : vector<1x1x64x1024xf32> to vector<64x1024xf32>
    %swap3A_146 = vector.shape_cast %add3A_139 : vector<64x1024xf32> to vector<1x1x64x1024xf32>
    tpu.vector_store %arg2[%swap3A_140, %swap3A_141, %swap3A_142, %swap3A_143], %swap3A_146 {strides = array<i32>} : memref<1x20x64x1024xf32, #tpu.memory_space<vmem>>, vector<1x1x64x1024xf32>,
    %get3A_147 = arith.constant 11 : index
    %get3A_148 = arith.constant 0 : index
    %get3A_149 = arith.constant 0 : index
    %get3A_150 = vector.load %arg3[%get3A_147, %get3A_148, %get3A_149] : memref<20x64x1024xf32, #tpu.memory_space<vmem>>, vector<1x64x1024xf32>
    %get3A_151 = vector.shape_cast %get3A_150 : vector<1x64x1024xf32> to vector<64x1024xf32>
    %add3A_152 = arith.addf %transpose3A, %get3A_151 : vector<64x1024xf32>
    %swap3A_153 = arith.constant 0 : index
    %swap3A_154 = arith.constant 11 : index
    %swap3A_155 = arith.constant 0 : index
    %swap3A_156 = arith.constant 0 : index
    %swap3A_157 = vector.load %arg2[%swap3A_153, %swap3A_154, %swap3A_155, %swap3A_156] : memref<1x20x64x1024xf32, #tpu.memory_space<vmem>>, vector<1x1x64x1024xf32>
    %swap3A_158 = vector.shape_cast %swap3A_157 : vector<1x1x64x1024xf32> to vector<64x1024xf32>
    %swap3A_159 = vector.shape_cast %add3A_152 : vector<64x1024xf32> to vector<1x1x64x1024xf32>
    tpu.vector_store %arg2[%swap3A_153, %swap3A_154, %swap3A_155, %swap3A_156], %swap3A_159 {strides = array<i32>} : memref<1x20x64x1024xf32, #tpu.memory_space<vmem>>, vector<1x1x64x1024xf32>,
    %get3A_160 = arith.constant 12 : index
    %get3A_161 = arith.constant 0 : index
    %get3A_162 = arith.constant 0 : index
    %get3A_163 = vector.load %arg3[%get3A_160, %get3A_161, %get3A_162] : memref<20x64x1024xf32, #tpu.memory_space<vmem>>, vector<1x64x1024xf32>
    %get3A_164 = vector.shape_cast %get3A_163 : vector<1x64x1024xf32> to vector<64x1024xf32>
    %add3A_165 = arith.addf %transpose3A, %get3A_164 : vector<64x1024xf32>
    %swap3A_166 = arith.constant 0 : index
    %swap3A_167 = arith.constant 12 : index
    %swap3A_168 = arith.constant 0 : index
    %swap3A_169 = arith.constant 0 : index
    %swap3A_170 = vector.load %arg2[%swap3A_166, %swap3A_167, %swap3A_168, %swap3A_169] : memref<1x20x64x1024xf32, #tpu.memory_space<vmem>>, vector<1x1x64x1024xf32>
    %swap3A_171 = vector.shape_cast %swap3A_170 : vector<1x1x64x1024xf32> to vector<64x1024xf32>
    %swap3A_172 = vector.shape_cast %add3A_165 : vector<64x1024xf32> to vector<1x1x64x1024xf32>
    tpu.vector_store %arg2[%swap3A_166, %swap3A_167, %swap3A_168, %swap3A_169], %swap3A_172 {strides = array<i32>} : memref<1x20x64x1024xf32, #tpu.memory_space<vmem>>, vector<1x1x64x1024xf32>,
    %get3A_173 = arith.constant 13 : index
    %get3A_174 = arith.constant 0 : index
    %get3A_175 = arith.constant 0 : index
    %get3A_176 = vector.load %arg3[%get3A_173, %get3A_174, %get3A_175] : memref<20x64x1024xf32, #tpu.memory_space<vmem>>, vector<1x64x1024xf32>
    %get3A_177 = vector.shape_cast %get3A_176 : vector<1x64x1024xf32> to vector<64x1024xf32>
    %add3A_178 = arith.addf %transpose3A, %get3A_177 : vector<64x1024xf32>
    %swap3A_179 = arith.constant 0 : index
    %swap3A_180 = arith.constant 13 : index
    %swap3A_181 = arith.constant 0 : index
    %swap3A_182 = arith.constant 0 : index
    %swap3A_183 = vector.load %arg2[%swap3A_179, %swap3A_180, %swap3A_181, %swap3A_182] : memref<1x20x64x1024xf32, #tpu.memory_space<vmem>>, vector<1x1x64x1024xf32>
    %swap3A_184 = vector.shape_cast %swap3A_183 : vector<1x1x64x1024xf32> to vector<64x1024xf32>
    %swap3A_185 = vector.shape_cast %add3A_178 : vector<64x1024xf32> to vector<1x1x64x1024xf32>
    tpu.vector_store %arg2[%swap3A_179, %swap3A_180, %swap3A_181, %swap3A_182], %swap3A_185 {strides = array<i32>} : memref<1x20x64x1024xf32, #tpu.memory_space<vmem>>, vector<1x1x64x1024xf32>,
    %get3A_186 = arith.constant 14 : index
    %get3A_187 = arith.constant 0 : index
    %get3A_188 = arith.constant 0 : index
    %get3A_189 = vector.load %arg3[%get3A_186, %get3A_187, %get3A_188] : memref<20x64x1024xf32, #tpu.memory_space<vmem>>, vector<1x64x1024xf32>
    %get3A_190 = vector.shape_cast %get3A_189 : vector<1x64x1024xf32> to vector<64x1024xf32>
    %add3A_191 = arith.addf %transpose3A, %get3A_190 : vector<64x1024xf32>
    %swap3A_192 = arith.constant 0 : index
    %swap3A_193 = arith.constant 14 : index
    %swap3A_194 = arith.constant 0 : index
    %swap3A_195 = arith.constant 0 : index
    %swap3A_196 = vector.load %arg2[%swap3A_192, %swap3A_193, %swap3A_194, %swap3A_195] : memref<1x20x64x1024xf32, #tpu.memory_space<vmem>>, vector<1x1x64x1024xf32>
    %swap3A_197 = vector.shape_cast %swap3A_196 : vector<1x1x64x1024xf32> to vector<64x1024xf32>
    %swap3A_198 = vector.shape_cast %add3A_191 : vector<64x1024xf32> to vector<1x1x64x1024xf32>
    tpu.vector_store %arg2[%swap3A_192, %swap3A_193, %swap3A_194, %swap3A_195], %swap3A_198 {strides = array<i32>} : memref<1x20x64x1024xf32, #tpu.memory_space<vmem>>, vector<1x1x64x1024xf32>,
    %get3A_199 = arith.constant 15 : index
    %get3A_200 = arith.constant 0 : index
    %get3A_201 = arith.constant 0 : index
    %get3A_202 = vector.load %arg3[%get3A_199, %get3A_200, %get3A_201] : memref<20x64x1024xf32, #tpu.memory_space<vmem>>, vector<1x64x1024xf32>
    %get3A_203 = vector.shape_cast %get3A_202 : vector<1x64x1024xf32> to vector<64x1024xf32>
    %add3A_204 = arith.addf %transpose3A, %get3A_203 : vector<64x1024xf32>
    %swap3A_205 = arith.constant 0 : index
    %swap3A_206 = arith.constant 15 : index
    %swap3A_207 = arith.constant 0 : index
    %swap3A_208 = arith.constant 0 : index
    %swap3A_209 = vector.load %arg2[%swap3A_205, %swap3A_206, %swap3A_207, %swap3A_208] : memref<1x20x64x1024xf32, #tpu.memory_space<vmem>>, vector<1x1x64x1024xf32>
    %swap3A_210 = vector.shape_cast %swap3A_209 : vector<1x1x64x1024xf32> to vector<64x1024xf32>
    %swap3A_211 = vector.shape_cast %add3A_204 : vector<64x1024xf32> to vector<1x1x64x1024xf32>
    tpu.vector_store %arg2[%swap3A_205, %swap3A_206, %swap3A_207, %swap3A_208], %swap3A_211 {strides = array<i32>} : memref<1x20x64x1024xf32, #tpu.memory_space<vmem>>, vector<1x1x64x1024xf32>,
    %get3A_212 = arith.constant 16 : index
    %get3A_213 = arith.constant 0 : index
    %get3A_214 = arith.constant 0 : index
    %get3A_215 = vector.load %arg3[%get3A_212, %get3A_213, %get3A_214] : memref<20x64x1024xf32, #tpu.memory_space<vmem>>, vector<1x64x1024xf32>
    %get3A_216 = vector.shape_cast %get3A_215 : vector<1x64x1024xf32> to vector<64x1024xf32>
    %add3A_217 = arith.addf %transpose3A, %get3A_216 : vector<64x1024xf32>
    %swap3A_218 = arith.constant 0 : index
    %swap3A_219 = arith.constant 16 : index
    %swap3A_220 = arith.constant 0 : index
    %swap3A_221 = arith.constant 0 : index
    %swap3A_222 = vector.load %arg2[%swap3A_218, %swap3A_219, %swap3A_220, %swap3A_221] : memref<1x20x64x1024xf32, #tpu.memory_space<vmem>>, vector<1x1x64x1024xf32>
    %swap3A_223 = vector.shape_cast %swap3A_222 : vector<1x1x64x1024xf32> to vector<64x1024xf32>
    %swap3A_224 = vector.shape_cast %add3A_217 : vector<64x1024xf32> to vector<1x1x64x1024xf32>
    tpu.vector_store %arg2[%swap3A_218, %swap3A_219, %swap3A_220, %swap3A_221], %swap3A_224 {strides = array<i32>} : memref<1x20x64x1024xf32, #tpu.memory_space<vmem>>, vector<1x1x64x1024xf32>,
    %get3A_225 = arith.constant 17 : index
    %get3A_226 = arith.constant 0 : index
    %get3A_227 = arith.constant 0 : index
    %get3A_228 = vector.load %arg3[%get3A_225, %get3A_226, %get3A_227] : memref<20x64x1024xf32, #tpu.memory_space<vmem>>, vector<1x64x1024xf32>
    %get3A_229 = vector.shape_cast %get3A_228 : vector<1x64x1024xf32> to vector<64x1024xf32>
    %add3A_230 = arith.addf %transpose3A, %get3A_229 : vector<64x1024xf32>
    %swap3A_231 = arith.constant 0 : index
    %swap3A_232 = arith.constant 17 : index
    %swap3A_233 = arith.constant 0 : index
    %swap3A_234 = arith.constant 0 : index
    %swap3A_235 = vector.load %arg2[%swap3A_231, %swap3A_232, %swap3A_233, %swap3A_234] : memref<1x20x64x1024xf32, #tpu.memory_space<vmem>>, vector<1x1x64x1024xf32>
    %swap3A_236 = vector.shape_cast %swap3A_235 : vector<1x1x64x1024xf32> to vector<64x1024xf32>
    %swap3A_237 = vector.shape_cast %add3A_230 : vector<64x1024xf32> to vector<1x1x64x1024xf32>
    tpu.vector_store %arg2[%swap3A_231, %swap3A_232, %swap3A_233, %swap3A_234], %swap3A_237 {strides = array<i32>} : memref<1x20x64x1024xf32, #tpu.memory_space<vmem>>, vector<1x1x64x1024xf32>,
    %get3A_238 = arith.constant 18 : index
    %get3A_239 = arith.constant 0 : index
    %get3A_240 = arith.constant 0 : index
    %get3A_241 = vector.load %arg3[%get3A_238, %get3A_239, %get3A_240] : memref<20x64x1024xf32, #tpu.memory_space<vmem>>, vector<1x64x1024xf32>
    %get3A_242 = vector.shape_cast %get3A_241 : vector<1x64x1024xf32> to vector<64x1024xf32>
    %add3A_243 = arith.addf %transpose3A, %get3A_242 : vector<64x1024xf32>
    %swap3A_244 = arith.constant 0 : index
    %swap3A_245 = arith.constant 18 : index
    %swap3A_246 = arith.constant 0 : index
    %swap3A_247 = arith.constant 0 : index
    %swap3A_248 = vector.load %arg2[%swap3A_244, %swap3A_245, %swap3A_246, %swap3A_247] : memref<1x20x64x1024xf32, #tpu.memory_space<vmem>>, vector<1x1x64x1024xf32>
    %swap3A_249 = vector.shape_cast %swap3A_248 : vector<1x1x64x1024xf32> to vector<64x1024xf32>
    %swap3A_250 = vector.shape_cast %add3A_243 : vector<64x1024xf32> to vector<1x1x64x1024xf32>
    tpu.vector_store %arg2[%swap3A_244, %swap3A_245, %swap3A_246, %swap3A_247], %swap3A_250 {strides = array<i32>} : memref<1x20x64x1024xf32, #tpu.memory_space<vmem>>, vector<1x1x64x1024xf32>,
    %get3A_251 = arith.constant 19 : index
    %get3A_252 = arith.constant 0 : index
    %get3A_253 = arith.constant 0 : index
    %get3A_254 = vector.load %arg3[%get3A_251, %get3A_252, %get3A_253] : memref<20x64x1024xf32, #tpu.memory_space<vmem>>, vector<1x64x1024xf32>
    %get3A_255 = vector.shape_cast %get3A_254 : vector<1x64x1024xf32> to vector<64x1024xf32>
    %add3A_256 = arith.addf %transpose3A, %get3A_255 : vector<64x1024xf32>
    %swap3A_257 = arith.constant 0 : index
    %swap3A_258 = arith.constant 19 : index
    %swap3A_259 = arith.constant 0 : index
    %swap3A_260 = arith.constant 0 : index
    %swap3A_261 = vector.load %arg2[%swap3A_257, %swap3A_258, %swap3A_259, %swap3A_260] : memref<1x20x64x1024xf32, #tpu.memory_space<vmem>>, vector<1x1x64x1024xf32>
    %swap3A_262 = vector.shape_cast %swap3A_261 : vector<1x1x64x1024xf32> to vector<64x1024xf32>
    %swap3A_263 = vector.shape_cast %add3A_256 : vector<64x1024xf32> to vector<1x1x64x1024xf32>
    tpu.vector_store %arg2[%swap3A_257, %swap3A_258, %swap3A_259, %swap3A_260], %swap3A_263 {strides = array<i32>} : memref<1x20x64x1024xf32, #tpu.memory_space<vmem>>, vector<1x1x64x1024xf32>,
    return
  }
  func.func @transform_0(%arg0: i32) -> (i32, i32, i32) {
    %c0_i32 = arith.constant 0 : i32
    %c0_i32_0 = arith.constant 0 : i32
    %c0_i32_1 = arith.constant 0 : i32
    %c0_i32_2 = arith.constant 0 : i32
    return %c0_i32, %c0_i32_0, %c0_i32_1 : i32, i32, i32
  }
  func.func @transform_1(%arg0: i32) -> (i32, i32, i32, i32) {
    %c0_i32 = arith.constant 0 : i32
    %c0_i32_0 = arith.constant 0 : i32
    %c0_i32_1 = arith.constant 0 : i32
    %c0_i32_2 = arith.constant 0 : i32
    return %arg0, %c0_i32, %c0_i32_0, %c0_i32_1 : i32, i32, i32, i32
  }
}

module attributes {stable_mosaic.version = 14 : i64} {
  func.func @_fmt_body(%arg0: i32, %arg1: memref<64x12800xf32, #tpu.memory_space<vmem>>, %arg2: memref<64x12800xf32, #tpu.memory_space<vmem>>, %arg3: memref<12800x128xf32, #tpu.memory_space<vmem>>) attributes {dimension_semantics = [#tpu.dimension_semantics<arbitrary>], iteration_bounds = array<i64: 8>, scalar_prefetch = 0 : i64, scratch_operands = 0 : i64, tpu.core_type = #tpu.core_type<tc>, window_params = [{transform_indices = @transform_0, window_bounds = array<i64: 64, 12800>}, {transform_indices = @transform_1, window_bounds = array<i64: 64, 12800>}, {transform_indices = @transform_2, window_bounds = array<i64: 12800, 128>}]} {
    %get3A = arith.constant 0 : index
    %get3A_0 = arith.constant 0 : index
    %get3A_1 = vector.load %arg1[%get3A, %get3A_0] : memref<64x12800xf32, #tpu.memory_space<vmem>>, vector<64x12800xf32>
    %transpose3A = tpu.transpose %get3A_1, [1, 0] : vector<64x12800xf32> -> vector<12800x64xf32>
    %swap3A = arith.constant 0 : index
    %swap3A_2 = arith.constant 0 : index
    %swap3A_3 = vector.load %arg3[%swap3A, %swap3A_2] : memref<12800x128xf32, #tpu.memory_space<vmem>>, vector<12800x64xf32>
    tpu.vector_store %arg3[%swap3A, %swap3A_2], %transpose3A {strides = array<i32>} : memref<12800x128xf32, #tpu.memory_space<vmem>>, vector<12800x64xf32>,
    %get3A_4 = arith.constant 0 : index
    %get3A_5 = arith.constant 0 : index
    %get3A_6 = vector.load %arg2[%get3A_4, %get3A_5] : memref<64x12800xf32, #tpu.memory_space<vmem>>, vector<64x12800xf32>
    %transpose3A_7 = tpu.transpose %get3A_6, [1, 0] : vector<64x12800xf32> -> vector<12800x64xf32>
    %swap3A_8 = arith.constant 0 : index
    %swap3A_9 = arith.constant 64 : index
    %swap3A_10 = vector.load %arg3[%swap3A_8, %swap3A_9] : memref<12800x128xf32, #tpu.memory_space<vmem>>, vector<12800x64xf32>
    tpu.vector_store %arg3[%swap3A_8, %swap3A_9], %transpose3A_7 {strides = array<i32>} : memref<12800x128xf32, #tpu.memory_space<vmem>>, vector<12800x64xf32>,
    return
  }
  func.func @transform_0(%arg0: i32) -> (i32, i32) {
    %c0_i32 = arith.constant 0 : i32
    %c0_i32_0 = arith.constant 0 : i32
    return %c0_i32, %arg0 : i32, i32
  }
  func.func @transform_1(%arg0: i32) -> (i32, i32) {
    %c0_i32 = arith.constant 0 : i32
    %c0_i32_0 = arith.constant 0 : i32
    return %c0_i32, %arg0 : i32, i32
  }
  func.func @transform_2(%arg0: i32) -> (i32, i32) {
    %c0_i32 = arith.constant 0 : i32
    %c0_i32_0 = arith.constant 0 : i32
    return %arg0, %c0_i32 : i32, i32
  }
}

</mosaic_0001>

<sc_bundles>
// kernel: kernel.5.cloned.1.call-start
scs
__scs_entry_jumppad:
0x0: {  	(pc) =	sbr.rel $0x88, $3  }
0x1: {  	(tag) =	ssettag $0x0;
	lr =	simm.s32 $0x1  }
0x2: {  	[smem:$0x3F9D] =	sst lr;
	_ =	strace $0xD0000000  }
0x3: {  	_ = 	snop  }
0x4: {  	_ = 	snop  }
0x5: {  	_ = 	snop  }
0x6: {  	_ = 	snop  }
0x7: {  	_ = 	snop  }
__scs_overlays_trampoline_lowered:
0x8: {  	[smem:$0x3FAC] =	sst s0  }
0x9: {  	[smem:$0x3FAD] =	sst s1  }
0xa: {  	[smem:$0x3FAE] =	sst s2  }
0xb: {  	[smem:$0x3FAF] =	sst s3  }
0xc: {  	[smem:$0x3FB0] =	sst s4  }
0xd: {  	[smem:$0x3FB1] =	sst s5  }
0xe: {  	[smem:$0x3FB2] =	sst s6  }
0xf: {  	[smem:$0x3FB3] =	sst s7  }
0x10: {  	[smem:$0x3FB4] =	sst s8  }
0x11: {  	[smem:$0x3FB5] =	sst s9;
	s0 =	simm.s32 @!p0 $0x0  }
0x12: {  	s1 =	sld [smem:$0x3F9B];
	s0 =	simm.s32 @p0 $0x1  }
0x13: {  	[smem:$0x3FB6] =	sst s0;
	s0 =	simm.s32 @!p1 $0x0  }
0x14: {  	s2 =	sld [smem:$0x3F9A];
	s0 =	simm.s32 @p1 $0x1  }
0x15: {  	[smem:$0x3FB7] =	sst s0;
	s0 =	simm.s32 @!p2 $0x0  }
0x16: {  	s3 =	sld [smem:$0x3FDB];
	s0 =	simm.s32 @p2 $0x1  }
0x17: {  	s4 =	simm.s32 $0x1BF5;
	[smem:$0x3FB9] =	sst s0  }
0x18: {  	s0 =	sld [smem:$0x3F9C];
	_ =	swait.ge [sflag:s4], $0x0  }
0x19: {  	s7 =	sld [smem:$0x3F9D]  }
0x1a: {  	s8 =	sadd.s32 $0xFFFFE003, lr  }
0x1b: {  	s9 =	sadd.s32 $0xFFFFFEF7, lr;
	s5 =	simm.s32 $0xFFFFFFFF;
	p2 =	slt.u32 s8, $0xFFFFF086  }
0x1c: {  	p1 =	slt.u32 s9, $0xF7A;
	s5 =	simm.s32 @!p2 $0x0  }
0x1d: {  	s5 =	simm.s32 @p1 $0x1;
	p0 =	seq.s32 s7, s2  }
0x1e: {  	s7 =	smul.u32 @!p0 $0xF7A, s2;
	p2 =	seq.s32 @!p0 s5, $0x0  }
0x1f: {  	s9 =	smul.u32 $0xF7A, s1;
	s8 =	simm.s32 @!p0 $0x1BF5;
	p2 =	por !p2, p0  }
0x20: {  	[sflag:s8] =	ssyncset.s32 @!p0 $0xFFFFF086;
	s6 =	sadd.s32 @!p0 s3, s7;
	s7 =	simm.s32 @!p0 $0x108  }
0x21: {  	s3 =	sadd.s32 s3, s9;
	s6 =	sadd.s32 @!p0 $0x88, s6;
	s7 =	simm.s32 @p2 $0x1082  }
0x22: {  	[simem:s7], [sflag:s8] =	dma.local @!p0 [hbm:s6], $0xF7A  }
0x23: {  	s9 =	sor.u32 $0xD0000000, s2;
	s6 =	simm.s32 $0x108;
	_ =	swait.ge @!p0 [sflag:s8], $0x0  }
0x24: {  	s3 =	sadd.s32 $0x88, s3;
	s6 =	simm.s32 @!p1 $0x1082;
	[sflag:s4] =	ssyncset.s32 $0xFFFFF086  }
0x25: {  	[simem:s6], [sflag:s4] =	dma.local [hbm:s3], $0xF7A  }
0x26: {  	[smem:$0x3F9D] =	sst s1;
	(tag) =	ssettag s2;
	_ =	strace s9  }
0x27: {  	s1 =	sld [smem:$0x3FAD]  }
0x28: {  	s2 =	sld [smem:$0x3FAE]  }
0x29: {  	s4 =	sld [smem:$0x3FB0]  }
0x2a: {  	p0 =	seq.s32 s5, $0x0;
	s5 =	sld [smem:$0x3FB1]  }
0x2b: {  	s6 =	sld [smem:$0x3FB2]  }
0x2c: {  	s7 =	sld [smem:$0x3FB3]  }
0x2d: {  	s3 =	simm.s32 $0x108;
	s8 =	sld [smem:$0x3FB4]  }
0x2e: {  	s3 =	simm.s32 @!p0 $0x1082;
	s9 =	sld [smem:$0x3FB5]  }
0x2f: {  	lr =	sadd.s32 s0, s3;
	s0 =	sld [smem:$0x3FAC]  }
0x30: {  	s3 =	sld [smem:$0x3FAF]  }
0x31: {  	[smem:$0x3FB8] =	sst s10  }
0x32: {  	s10 =	sld [smem:$0x3FB6];
	_ =	sdelay $0x3  }
0x33: {  	p0 =	seq.s32 s10, $0x1;
	s10 =	sld [smem:$0x3FB8];
	_ =	sdelay $0x3  }
0x34: {  	[smem:$0x3FB8] =	sst s10  }
0x35: {  	s10 =	sld [smem:$0x3FB7];
	_ =	sdelay $0x3  }
0x36: {  	p1 =	seq.s32 s10, $0x1;
	s10 =	sld [smem:$0x3FB8];
	_ =	sdelay $0x3  }
0x37: {  	[smem:$0x3FB8] =	sst s10  }
0x38: {  	s10 =	sld [smem:$0x3FB9]  }
0x39: {  	_ = 	snop;
	(pc) =	sbr.ind lr, $3  }
0x3a: {  	_ = 	snop  }
0x3b: {  	_ = 	snop  }
0x3c: {  	p2 =	seq.s32 s10, $0x1;
	s10 =	sld [smem:$0x3FB8]  }
0x3d: {  	_ =	shalt  }
0x3e: {  	_ =	shalt  }
0x3f: {  	_ =	shalt  }
0x40: {  	_ =	shalt  }
0x41: {  	_ =	shalt  }
0x42: {  	_ =	shalt  }
0x43: {  	_ =	shalt  }
0x44: {  	_ =	shalt  }
0x45: {  	_ =	shalt  }
0x46: {  	_ =	shalt  }
0x47: {  	_ =	shalt  }
0x48: {  	_ =	shalt  }
0x49: {  	_ =	shalt  }
0x4a: {  	_ =	shalt  }
0x4b: {  	_ =	shalt  }
0x4c: {  	_ =	shalt  }
0x4d: {  	_ =	shalt  }
0x4e: {  	_ =	shalt  }
0x4f: {  	_ =	shalt  }
0x50: {  	_ =	shalt  }
0x51: {  	_ =	shalt  }
0x52: {  	_ =	shalt  }
0x53: {  	_ =	shalt  }
0x54: {  	_ =	shalt  }
0x55: {  	_ =	shalt  }
0x56: {  	_ =	shalt  }
0x57: {  	_ =	shalt  }
0x58: {  	_ =	shalt  }
0x59: {  	_ =	shalt  }
0x5a: {  	_ =	shalt  }
0x5b: {  	_ =	shalt  }
0x5c: {  	_ =	shalt  }
0x5d: {  	_ =	shalt  }
0x5e: {  	_ =	shalt  }
0x5f: {  	_ =	shalt  }
0x60: {  	_ =	shalt  }
0x61: {  	_ =	shalt  }
0x62: {  	_ =	shalt  }
0x63: {  	_ =	shalt  }
0x64: {  	_ =	shalt  }
0x65: {  	_ =	shalt  }
0x66: {  	_ =	shalt  }
0x67: {  	_ =	shalt  }
0x68: {  	_ =	shalt  }
0x69: {  	_ =	shalt  }
0x6a: {  	_ =	shalt  }
0x6b: {  	_ =	shalt  }
0x6c: {  	_ =	shalt  }
0x6d: {  	_ =	shalt  }
0x6e: {  	_ =	shalt  }
0x6f: {  	_ =	shalt  }
0x70: {  	_ =	shalt  }
0x71: {  	_ =	shalt  }
0x72: {  	_ =	shalt  }
0x73: {  	_ =	shalt  }
0x74: {  	_ =	shalt  }
0x75: {  	_ =	shalt  }
0x76: {  	_ =	shalt  }
0x77: {  	_ =	shalt  }
0x78: {  	_ =	shalt  }
0x79: {  	_ =	shalt  }
0x7a: {  	_ =	shalt  }
0x7b: {  	_ =	shalt  }
0x7c: {  	_ =	shalt  }
0x7d: {  	_ =	shalt  }
0x7e: {  	_ =	shalt  }
0x7f: {  	_ =	shalt  }
0x80: {  	_ =	shalt  }
0x81: {  	_ =	shalt  }
0x82: {  	_ =	shalt  }
0x83: {  	_ =	shalt  }
0x84: {  	_ =	shalt  }
0x85: {  	_ =	shalt  }
0x86: {  	_ =	shalt  }
0x87: {  	_ =	shalt  }
.Lfunc_end0:
.L_simem_size_0:
called_computation_lowered:
.L_overlay_start_0:
0x88: {  	s2 =	sld [smem:$0x3FD9]  }
0x89: {  	s3 =	sld [smem:$0x3FFE];
	_ =	sdelay $0x1  }
0x8a: {  	s1 =	srdreg.scid  }
0x8b: {  	s0 =	sand.u32 $0x1, s1  }
0x8c: {  	s17 =	sshll.u32 s0, $0xA;
	s2 =	sadd.s32 s3, s2  }
0x8d: {  	s2 =	sadd.s32 s2, s17  }
0x8e: {  	[smem:$0x3FC4] =	sst s2  }
0x8f: {  	_ = 	snop  }
0x90: {  	s2 =	sld [smem:$0x3FD0];
	(tm) =	ssettm $0x1  }
0x91: {  	s18 =	sld [smem:$0x3FFB];
	_ =	sdelay $0x3  }
0x92: {  	_ =	strace s18  }
0x93: {  	s3 =	sld [smem:$0x3FFC];
	_ =	sdelay $0x3  }
0x94: {  	_ =	strace s3  }
0x95: {  	s3 =	sld [smem:$0x3FFD];
	_ =	sdelay $0x3  }
0x96: {  	_ =	strace s3  }
0x97: {  	_ =	strace $0x8FFFFFFF  }
0x98: {  	s19 =	sld [smem:$0x3FDB];
	_ =	sdelay $0x1  }
0x99: {  	s4 =	simm.s32 $_scs_section_size  }
0x9a: {  	s5 =	simm.s32 $_size__tile_overlayer_lowered;
	s6 =	simm.s32 $_tile_overlayer_lowered  }
0x9b: {  	s22 =	simm.s32 $0x1BFF;
	s21 =	sshll.u32 s6, $0x1;
	s3 =	sadd.s32 s4, s19  }
0x9c: {  	s7 =	simm.s32 $0x0;
	s20 =	sshll.u32 s5, $0x1;
	s5 =	sadd.s32 s21, s3  }
0x9d: {  	[timem:s7], [sflag:s22] =	dma.local [hbm:s5], s20  }
0x9e: {  	_ =	swait.ge [sflag:s22], s20  }
0x9f: {  	s4 =	ssub.s32 $0x0, s20;
	[sflag:s22] =	ssyncset.done $0x0  }
0xa0: {  	[sflag:s22] =	ssyncadd.s32 s4;
	_ =	sdelay $0x1  }
0xa1: {  	s23 =	simm.s32 $0x1B8B  }
0xa2: {  	_ =	swait.ge [sflag:s23], $0x1  }
0xa3: {  	[sflag:s23] =	ssyncset.done $0x0  }
0xa4: {  	s25 =	simm.s32 $0x1B8E;
	s24 =	sld [smem:$0x3FFE];
	[sflag:s23] =	ssyncadd.s32 $0xFFFFFFFF  }
0xa5: {  	s26 =	simm.s32 $execute0_lowered;
	[smem:$0x3FD2] =	sst s25  }
0xa6: {  	s5 =	sshll.u32 s26, $0x1;
	_ =	strace $0x80000046;
	[dreg:$0x1] =	wrdreg $0xFFFFFFFF  }
0xa7: {  	s28 =	simm.s32 $_size_execute0_lowered;
	s3 =	sadd.s32 s3, s5;
	[dreg:$0x0] =	wrdreg $0x0  }
0xa8: {  	s5 =	sshll.u32 s28, $0x1;
	[dreg:$0x2] =	wrdreg s3  }
0xa9: {  	[dreg:$0x3] =	wrdreg s5  }
0xaa: {  	[dreg:$0x4] =	wrdreg $0xC0  }
0xab: {  	_ =	task [dreg:s7], $0x5FFFF  }
0xac: {  	[dreg:$0x1] =	wrdreg $0xFFFFFFFF  }
0xad: {  	[dreg:$0x0] =	wrdreg $0x60  }
0xae: {  	[dreg:$0x2] =	wrdreg s24  }
0xaf: {  	[dreg:$0x3] =	wrdreg s2  }
0xb0: {  	[dreg:$0x4] =	wrdreg $0x9  }
0xb1: {  	_ =	task.clear_ibuf [dreg:s7], $0x5FFFF;
	_ =	strace $0x90000046  }
0xb2: {  	s29 =	simm.s32 $0x9;
	_ =	strace $0x80000048  }
0xb3: {  	_ =	swait.ge [sflag:s29], $0x1  }
0xb4: {  	[sflag:s29] =	ssyncadd.s32 $0xFFFFFFFF  }
0xb5: {  	_ =	strace $0x90000048  }
0xb6: {  	_ =	sfence  }
0xb7: {  	s30 =	sld [smem:$0x0];
	_ =	sdelay $0x2  }
0xb8: {  	s31 =	sshll.u32 s1, $0xD;
	s1 =	sshrl.u32 s1, $0x2  }
0xb9: {  	s3 =	sand.u32 $0x4000, s31;
	s1 =	sadd.s32 s1, s30  }
0xba: {  	s0 =	sor.u32 s3, s0;
	s1 =	sshll.u32 s1, $0x11  }
0xbb: {  	s0 =	sor.u32 s1, s0  }
0xbc: {  	s0 =	sadd.s32 $0x8F2B, s0  }
0xbd: {  	[sflag:s0] =	ssyncadd.remote.s32 $0x1  }
0xbe: {  	_ =	sfence.sel $0xFFFF  }
0xbf: {  	[dreg:$0x0] =	wrdreg $0xFFFFFFFF;
	(pc) =	sbr.abs _section_cstart, $3  }
0xc0: {  	[dreg:$0x1] =	wrdreg $0xFFFFFFFF  }
0xc1: {  	_ =	task.clear_ibuf [dreg:s7], $0x2FFFF;
	_ =	strace $0x9FFFFFFF  }
0xc2: {  	(tm) =	ssettm $0x7FFFFFFF  }
0xc3: {  	_ =	shalt  }
tec
execute0_lowered:
.L_overlay_start_1:
0x0: {  	(tag) =	ssettag $0x1  }
0x1: {  	s1 =	srdreg.scid;
	s4 =	rddreg [dreg:$0x0]  }
0x2: {  	s0 =	stileid.u32;
	s2 =	rddreg [dreg:$0x1]  }
0x3: {  	s3 =	simm.s32 $0x0;
	s10 =	simm.s32 $0x280;
	s11 =	simm.s32 $0x500  }
0x4: {  	s12 =	simm.s32 $0xA500;
	s5 =	sand.u32 $0x1, s1;
	s31 =	sshll.u32 s0, $0x1  }
0x5: {  	s13 =	simm.s32 $0x1;
	s14 =	simm.s32 $0x2;
	s6 =	sor.u32 s5, s31  }
0x6: {  	s15 =	simm.s32 $0x40;
	s16 =	simm.s32 $0x80;
	s7 =	smul.u32 $0x50, s6  }
0x7: {  	[smem:$0x7FF] =	sst s3;
	s5 =	ssub.s32 $0x2, s5;
	s6 =	smul.u32 $0x2800, s6  }
0x8: {  	s1 =	rddreg [dreg:$0x2];
	_ =	strace $0x80000047;
	s8 =	sshrl.u32 s5, $0x1  }
0x9: {  	s8 =	ssub.s32 s5, s8;
	s7 =	sadd.s32 s7, s4;
	s9 =	sadd.s32 s6, s4  }
0xa: {  	s8 =	smax.u32 s8, $0x1;
	s4 =	sadd.s32 $0x600, s7;
	s5 =	sadd.s32 $0x1000, s7  }
0xb: {  	s6 =	sadd.s32 $0x1A00, s9;
	s7 =	sadd.s32 $0x1A08, s9;
	s9 =	simm.s32 $0x3  }
.LBB2_1:
0xc: {  	[tilespmem:s3], [sflag:$0x3] =	stream.linear.gather [hbm4b:s4+s3], $0x280, $0x38;
	[tilespmem:$0x14500] =	vst v63  }
0xd: {  	_ =	swait.ge [sflag:s9], $0x280  }
0xe: {  	[sflag:s9] =	ssyncset.done $0x0  }
0xf: {  	[sflag:s9] =	ssyncadd.s32 $0xFFFFFD80  }
0x10: {  	[tilespmem:s10], [sflag:$0x3] =	stream.linear.gather [hbm4b:s5+s3], $0x280, $0x38;
	[tilespmem:$0x14500] =	vst v63  }
0x11: {  	_ =	swait.ge [sflag:s9], $0x280  }
0x12: {  	[sflag:s9] =	ssyncset.done $0x0  }
0x13: {  	[sflag:s9] =	ssyncadd.s32 $0xFFFFFD80  }
0x14: {  	v0 =	vld [tilespmem:$0x0]  }
0x15: {  	v1 =	vld [tilespmem:$0x280]  }
0x16: {  	v2 =	vld [tilespmem:$0x10]  }
0x17: {  	v3 =	vld [tilespmem:$0x290]  }
0x18: {  	v4 =	vld [tilespmem:$0x20]  }
0x19: {  	v6 =	vld [tilespmem:$0x30]  }
0x1a: {  	v26 =	vld [tilespmem:$0x40]  }
0x1b: {  	v31 =	vld [tilespmem:$0x50];
	v0 =	vshll.u32 v0, $0x1  }
0x1c: {  	v35 =	vld [tilespmem:$0x60];
	v24 =	vshll.u32 v2, $0x1;
	[tilespmem:$0x0] =	vst v0  }
0x1d: {  	v39 =	vld [tilespmem:$0x70];
	v29 =	vshll.u32 v4, $0x1;
	[tilespmem:$0x10] =	vst v24  }
0x1e: {  	v43 =	vld [tilespmem:$0x80];
	v34 =	vshll.u32 v6, $0x1;
	[tilespmem:$0x20] =	vst v29  }
0x1f: {  	v47 =	vld [tilespmem:$0x90];
	v38 =	vshll.u32 v26, $0x1;
	[tilespmem:$0x30] =	vst v34  }
0x20: {  	v51 =	vld [tilespmem:$0xA0];
	v42 =	vshll.u32 v31, $0x1;
	[tilespmem:$0x40] =	vst v38  }
0x21: {  	v55 =	vld [tilespmem:$0xB0];
	v46 =	vshll.u32 v35, $0x1;
	[tilespmem:$0x50] =	vst v42  }
0x22: {  	v59 =	vld [tilespmem:$0xC0];
	v50 =	vshll.u32 v39, $0x1;
	[tilespmem:$0x60] =	vst v46  }
0x23: {  	v63 =	vld [tilespmem:$0xD0];
	v54 =	vshll.u32 v43, $0x1;
	[tilespmem:$0x70] =	vst v50  }
0x24: {  	v15 =	vld [tilespmem:$0xF0];
	v58 =	vshll.u32 v47, $0x1;
	[tilespmem:$0x80] =	vst v54  }
0x25: {  	v5 =	vld [tilespmem:$0x2A0];
	v62 =	vshll.u32 v51, $0x1;
	[tilespmem:$0x90] =	vst v58  }
0x26: {  	v23 =	vld [tilespmem:$0x2B0];
	v10 =	vshll.u32 v55, $0x1;
	[tilespmem:$0xA0] =	vst v62  }
0x27: {  	v28 =	vld [tilespmem:$0x2C0];
	v14 =	vshll.u32 v59, $0x1;
	[tilespmem:$0xB0] =	vst v10  }
0x28: {  	v33 =	vld [tilespmem:$0x2D0];
	v18 =	vshll.u32 v63, $0x1;
	[tilespmem:$0xC0] =	vst v14  }
0x29: {  	v37 =	vld [tilespmem:$0x2E0];
	v1 =	vshll.u32 v1, $0x1;
	v26 =	vshll.u32 v15, $0x1;
	[tilespmem:$0xD0] =	vst v18  }
0x2a: {  	v19 =	vld [tilespmem:$0x100];
	v25 =	vshll.u32 v3, $0x1;
	v22 =	vor.u32 $0x1, v1;
	[tilespmem:$0xF0] =	vst v26  }
0x2b: {  	v41 =	vld [tilespmem:$0x2F0];
	v30 =	vshll.u32 v5, $0x1;
	v27 =	vor.u32 $0x1, v25;
	[tilespmem:$0x280] =	vst v22  }
0x2c: {  	v45 =	vld [tilespmem:$0x300];
	v2 =	vshll.u32 v28, $0x1;
	v32 =	vor.u32 $0x1, v30;
	[tilespmem:$0x290] =	vst v27  }
0x2d: {  	v49 =	vld [tilespmem:$0x310];
	v4 =	vshll.u32 v33, $0x1;
	v40 =	vor.u32 $0x1, v2;
	[tilespmem:$0x2A0] =	vst v32  }
0x2e: {  	v11 =	vld [tilespmem:$0xE0];
	v44 =	vor.u32 $0x1, v4;
	[tilespmem:$0x2C0] =	vst v40  }
0x2f: {  	v53 =	vld [tilespmem:$0x320];
	v1 =	vshll.u32 v23, $0x1;
	v30 =	vshll.u32 v19, $0x1;
	[tilespmem:$0x2D0] =	vst v44  }
0x30: {  	v57 =	vld [tilespmem:$0x330];
	v2 =	vshll.u32 v41, $0x1;
	v36 =	vor.u32 $0x1, v1;
	[tilespmem:$0x100] =	vst v30  }
0x31: {  	v61 =	vld [tilespmem:$0x340];
	v4 =	vshll.u32 v45, $0x1;
	v52 =	vor.u32 $0x1, v2;
	[tilespmem:$0x2B0] =	vst v36  }
0x32: {  	v9 =	vld [tilespmem:$0x350];
	v56 =	vor.u32 $0x1, v4;
	[tilespmem:$0x2F0] =	vst v52  }
0x33: {  	v13 =	vld [tilespmem:$0x360];
	v1 =	vshll.u32 v37, $0x1;
	v22 =	vshll.u32 v11, $0x1;
	[tilespmem:$0x300] =	vst v56  }
0x34: {  	v17 =	vld [tilespmem:$0x370];
	v2 =	vshll.u32 v53, $0x1;
	v48 =	vor.u32 $0x1, v1;
	[tilespmem:$0xE0] =	vst v22  }
0x35: {  	v21 =	vld [tilespmem:$0x380];
	v4 =	vshll.u32 v57, $0x1;
	v8 =	vor.u32 $0x1, v2;
	[tilespmem:$0x2E0] =	vst v48  }
0x36: {  	v31 =	vld [tilespmem:$0x130];
	v1 =	vshll.u32 v49, $0x1;
	v12 =	vor.u32 $0x1, v4;
	[tilespmem:$0x320] =	vst v8  }
0x37: {  	v33 =	vld [tilespmem:$0x3B0];
	v2 =	vshll.u32 v9, $0x1;
	v60 =	vor.u32 $0x1, v1;
	[tilespmem:$0x330] =	vst v12  }
0x38: {  	v35 =	vld [tilespmem:$0x140];
	v4 =	vshll.u32 v13, $0x1;
	v20 =	vor.u32 $0x1, v2;
	[tilespmem:$0x310] =	vst v60  }
0x39: {  	v39 =	vld [tilespmem:$0x150];
	v1 =	vshll.u32 v61, $0x1;
	v24 =	vor.u32 $0x1, v4;
	[tilespmem:$0x350] =	vst v20  }
0x3a: {  	v43 =	vld [tilespmem:$0x160];
	v2 =	vshll.u32 v21, $0x1;
	v16 =	vor.u32 $0x1, v1;
	[tilespmem:$0x360] =	vst v24  }
0x3b: {  	v47 =	vld [tilespmem:$0x170];
	v32 =	vor.u32 $0x1, v2;
	[tilespmem:$0x340] =	vst v16  }
0x3c: {  	v51 =	vld [tilespmem:$0x180];
	v42 =	vshll.u32 v31, $0x1;
	[tilespmem:$0x380] =	vst v32  }
0x3d: {  	v55 =	vld [tilespmem:$0x190];
	v46 =	vshll.u32 v35, $0x1;
	[tilespmem:$0x130] =	vst v42  }
0x3e: {  	v59 =	vld [tilespmem:$0x1A0];
	v50 =	vshll.u32 v39, $0x1;
	[tilespmem:$0x140] =	vst v46  }
0x3f: {  	v63 =	vld [tilespmem:$0x1B0];
	v54 =	vshll.u32 v43, $0x1;
	[tilespmem:$0x150] =	vst v50  }
0x40: {  	v23 =	vld [tilespmem:$0x110];
	v58 =	vshll.u32 v47, $0x1;
	[tilespmem:$0x160] =	vst v54  }
0x41: {  	v25 =	vld [tilespmem:$0x390];
	v62 =	vshll.u32 v51, $0x1;
	[tilespmem:$0x170] =	vst v58  }
0x42: {  	v29 =	vld [tilespmem:$0x3A0];
	v9 =	vshll.u32 v55, $0x1;
	[tilespmem:$0x180] =	vst v62  }
0x43: {  	v10 =	vld [tilespmem:$0x1C0];
	v13 =	vshll.u32 v59, $0x1;
	[tilespmem:$0x190] =	vst v9  }
0x44: {  	v14 =	vld [tilespmem:$0x1D0];
	v1 =	vshll.u32 v17, $0x1;
	v17 =	vshll.u32 v63, $0x1;
	[tilespmem:$0x1A0] =	vst v13  }
0x45: {  	v18 =	vld [tilespmem:$0x1E0];
	v28 =	vor.u32 $0x1, v1;
	[tilespmem:$0x1B0] =	vst v17  }
0x46: {  	v41 =	vld [tilespmem:$0x3D0];
	v2 =	vshll.u32 v33, $0x1;
	v34 =	vshll.u32 v23, $0x1;
	[tilespmem:$0x370] =	vst v28  }
0x47: {  	v27 =	vld [tilespmem:$0x120];
	v44 =	vor.u32 $0x1, v2;
	[tilespmem:$0x110] =	vst v34  }
0x48: {  	v45 =	vld [tilespmem:$0x3E0];
	v21 =	vshll.u32 v10, $0x1;
	[tilespmem:$0x3B0] =	vst v44  }
0x49: {  	v26 =	vld [tilespmem:$0x200];
	v4 =	vshll.u32 v25, $0x1;
	v25 =	vshll.u32 v14, $0x1;
	[tilespmem:$0x1C0] =	vst v21  }
0x4a: {  	v37 =	vld [tilespmem:$0x3C0];
	v1 =	vshll.u32 v29, $0x1;
	v29 =	vshll.u32 v18, $0x1;
	[tilespmem:$0x1D0] =	vst v25  }
0x4b: {  	v30 =	vld [tilespmem:$0x210];
	v36 =	vor.u32 $0x1, v4;
	[tilespmem:$0x1E0] =	vst v29  }
0x4c: {  	v38 =	vshll.u32 v27, $0x1;
	[tilespmem:$0x390] =	vst v36  }
0x4d: {  	v57 =	vld [tilespmem:$0x410];
	v2 =	vshll.u32 v45, $0x1;
	v40 =	vor.u32 $0x1, v1;
	[tilespmem:$0x120] =	vst v38  }
0x4e: {  	v49 =	vld [tilespmem:$0x3F0];
	v56 =	vor.u32 $0x1, v2;
	[tilespmem:$0x3A0] =	vst v40  }
0x4f: {  	v22 =	vld [tilespmem:$0x1F0];
	v4 =	vshll.u32 v37, $0x1;
	v37 =	vshll.u32 v26, $0x1;
	[tilespmem:$0x3E0] =	vst v56  }
0x50: {  	v53 =	vld [tilespmem:$0x400];
	v1 =	vshll.u32 v41, $0x1;
	v41 =	vshll.u32 v30, $0x1;
	[tilespmem:$0x200] =	vst v37  }
0x51: {  	v61 =	vld [tilespmem:$0x420];
	v48 =	vor.u32 $0x1, v4;
	[tilespmem:$0x210] =	vst v41  }
0x52: {  	v8 =	vld [tilespmem:$0x430];
	v2 =	vshll.u32 v57, $0x1;
	v52 =	vor.u32 $0x1, v1;
	[tilespmem:$0x3C0] =	vst v48  }
0x53: {  	v12 =	vld [tilespmem:$0x440];
	v11 =	vor.u32 $0x1, v2;
	[tilespmem:$0x3D0] =	vst v52  }
0x54: {  	v20 =	vld [tilespmem:$0x460];
	v4 =	vshll.u32 v49, $0x1;
	v33 =	vshll.u32 v22, $0x1;
	[tilespmem:$0x410] =	vst v11  }
0x55: {  	v24 =	vld [tilespmem:$0x470];
	v1 =	vshll.u32 v53, $0x1;
	v60 =	vor.u32 $0x1, v4;
	[tilespmem:$0x1F0] =	vst v33  }
0x56: {  	v16 =	vld [tilespmem:$0x450];
	v7 =	vor.u32 $0x1, v1;
	v4 =	vshll.u32 v61, $0x1;
	[tilespmem:$0x3F0] =	vst v60  }
0x57: {  	v42 =	vld [tilespmem:$0x240];
	v1 =	vshll.u32 v8, $0x1;
	[tilespmem:$0x400] =	vst v7;
	v15 =	vor.u32 $0x1, v4  }
0x58: {  	v46 =	vld [tilespmem:$0x250];
	v2 =	vshll.u32 v12, $0x1;
	v19 =	vor.u32 $0x1, v1;
	[tilespmem:$0x420] =	vst v15  }
0x59: {  	v50 =	vld [tilespmem:$0x260];
	v23 =	vor.u32 $0x1, v2;
	v1 =	vshll.u32 v20, $0x1;
	[tilespmem:$0x430] =	vst v19  }
0x5a: {  	v54 =	vld [tilespmem:$0x270];
	v2 =	vshll.u32 v24, $0x1;
	[tilespmem:$0x440] =	vst v23;
	v31 =	vor.u32 $0x1, v1  }
0x5b: {  	v32 =	vld [tilespmem:$0x490];
	v35 =	vor.u32 $0x1, v2;
	[tilespmem:$0x460] =	vst v31  }
0x5c: {  	v28 =	vld [tilespmem:$0x480];
	v53 =	vshll.u32 v42, $0x1;
	[tilespmem:$0x470] =	vst v35  }
0x5d: {  	v34 =	vld [tilespmem:$0x220];
	v57 =	vshll.u32 v46, $0x1;
	[tilespmem:$0x240] =	vst v53  }
0x5e: {  	v44 =	vld [tilespmem:$0x4C0];
	v59 =	vshll.u32 v50, $0x1;
	[tilespmem:$0x250] =	vst v57  }
0x5f: {  	v38 =	vld [tilespmem:$0x230];
	v4 =	vshll.u32 v16, $0x1;
	v62 =	vshll.u32 v54, $0x1;
	[tilespmem:$0x260] =	vst v59  }
0x60: {  	v36 =	vld [tilespmem:$0x4A0];
	v1 =	vshll.u32 v32, $0x1;
	v27 =	vor.u32 $0x1, v4;
	[tilespmem:$0x270] =	vst v62  }
0x61: {  	v40 =	vld [tilespmem:$0x4B0];
	v43 =	vor.u32 $0x1, v1;
	[tilespmem:$0x450] =	vst v27  }
0x62: {  	v56 =	vld [tilespmem:$0x4F0];
	v4 =	vshll.u32 v28, $0x1;
	v45 =	vshll.u32 v34, $0x1;
	[tilespmem:$0x490] =	vst v43  }
0x63: {  	v48 =	vld [tilespmem:$0x4D0];
	v39 =	vor.u32 $0x1, v4;
	[tilespmem:$0x220] =	vst v45  }
0x64: {  	v52 =	vld [tilespmem:$0x4E0];
	v1 =	vshll.u32 v44, $0x1;
	v49 =	vshll.u32 v38, $0x1;
	[tilespmem:$0x480] =	vst v39  }
0x65: {  	v2 =	vshll.u32 v36, $0x1;
	v55 =	vor.u32 $0x1, v1;
	[tilespmem:$0x230] =	vst v49  }
0x66: {  	v4 =	vshll.u32 v40, $0x1;
	v47 =	vor.u32 $0x1, v2;
	[tilespmem:$0x4C0] =	vst v55  }
0x67: {  	v1 =	vshll.u32 v56, $0x1;
	v51 =	vor.u32 $0x1, v4;
	[tilespmem:$0x4A0] =	vst v47  }
0x68: {  	v2 =	vshll.u32 v48, $0x1;
	v63 =	vor.u32 $0x1, v1;
	[tilespmem:$0x4B0] =	vst v51  }
0x69: {  	v60 =	vshll.u32 v52, $0x1;
	v58 =	vor.u32 $0x1, v2;
	[tilespmem:$0x4F0] =	vst v63  }
0x6a: {  	v61 =	vor.u32 $0x1, v60;
	[tilespmem:$0x4D0] =	vst v58  }
0x6b: {  	[tilespmem:$0x4E0] =	vst v61  }
0x6c: {  	[tilespmem:s11], [sflag:$0x1] =	stream.indirect.gather [hbm4b:s2+s10], $0x40, s3, s10, $0xb8;
	[tilespmem:$0x14500] =	vst v63  }
0x6d: {  	_ = 	snop  }
0x6e: {  	[tilespmem:s12], [sflag:$0x2] =	stream.indirect.gather [hbm4b:s2+s10], $0x40, s10, s10, $0xb8;
	[tilespmem:$0x14500] =	vst v63  }
0x6f: {  	_ =	swait.ge [sflag:s13], $0xA000  }
0x70: {  	[sflag:s13] =	ssyncset.done $0x0  }
0x71: {  	[sflag:s13] =	ssyncadd.s32 $0xFFFF6000  }
0x72: {  	_ =	swait.ge [sflag:s14], $0xA000  }
0x73: {  	[sflag:s14] =	ssyncset.done $0x0  }
0x74: {  	[sflag:s14] =	ssyncadd.s32 $0xFFFF6000  }
0x75: {  	[hbm4b:s6+s15] =	stream.strided.scatter [tilespmem:s11], [sflag:$0x3], $0xA000, s16, s15, $0x38;
	[tilespmem:$0x14500] =	vst v63  }
0x76: {  	_ =	swait.ge [sflag:s9], $0xA000  }
0x77: {  	p0 =	sne.s32 s8, $0x1;
	[sflag:s9] =	ssyncset.done $0x0  }
.Ltmp0:
0x78: {  	[sflag:s9] =	ssyncadd.s32 $0xFFFF6000;
	(pc) =	sbr.rel @p0 .LBB2_1-.Ltmp0, $4  }
0x79: {  	[hbm4b:s7+s15] =	stream.strided.scatter [tilespmem:s12], [sflag:$0x3], $0xA000, s16, s15, $0x38;
	[tilespmem:$0x14500] =	vst v63  }
0x7a: {  	_ =	swait.ge [sflag:s9], $0xA000  }
0x7b: {  	[sflag:s9] =	ssyncset.done $0x0  }
0x7c: {  	s8 =	sadd.s32 $0xFFFFFFFF, s8;
	[sflag:s9] =	ssyncadd.s32 $0xFFFF6000  }
0x7d: {  	_ =	sfence.sel $0x180000  }
0x7e: {  	[bflag:$0x0] =	sbarrier.arrive $0xFFFF  }
0x7f: {  	p0 =	sne.s32 s0, $0x0;
	_ =	strace $0x90000047  }
0x80: {  	s0 =	sadd.s32 @!p0 $0x100000, s1;
	[bflag:$0x2] =	sbarrier.arrive $0xFFFF  }
0x81: {  	[sflag:s0] =	ssyncadd.tile.s32 @!p0 $0x1;
	_ =	shalt  }
.Lfunc_end2:
_tile_overlayer_lowered:
.L_overlay_start_2:
0x82: {  	(tag) =	ssettag $0x2  }
0x83: {  	s0 =	rddreg [dreg:$0x0];
	s2 =	stileid.u32  }
0x84: {  	s1 =	rddreg [dreg:$0x1];
	p0 =	sne.s32 s2, $0x0  }
0x85: {  	s3 =	rddreg [dreg:$0x2];
	[bflag:$0x3] =	sbarrier.arrive $0xFFFF;
	s2 =	simm.s32 @!p0 $0x1C03  }
0x86: {  	[timem:s3], [sflag:s2] =	dma.local @!p0 [hbm:s0], s1  }
0x87: {  	s0 =	simm.s32 @!p0 $0x3  }
0x88: {  	_ =	swait.ge @!p0 [sflag:s0], s1  }
0x89: {  	s1 =	ssub.s32 @!p0 $0x0, s1;
	[sflag:s0] =	ssyncset.done @!p0 $0x0  }
0x8a: {  	[sflag:s0] =	ssyncadd.s32 @!p0 s1  }
0x8b: {  	[bflag:$0x3] =	sbarrier.arrive $0xFFFF  }
0x8c: {  	_ =	shalt  }

</sc_bundles>
